<compile_context>
chip_gen: v7x
topology: tpu7x:2x2x1
jax: 0.10.2.dev20260603
libtpu: 0.0.44.dev20260713+nightly
codegen_flags: <defaults>
</compile_context>

<pallas_src>
import functools

import jax
import jax.numpy as jnp
from jax import lax
from jax.experimental import pallas as pl
from jax.experimental.pallas import tpu as pltpu
from jax.experimental.pallas import tpu_sc as plsc

N_NODES = 10000
NP = 10240
NPH = NP // 2
N_EDGES = 320000
IN_DIM = 128
HID_DIM = 64
NUM_REL = 2

NC = 2
NS = 16
NW = NC * NS

EDGE_B = 128
E_PAD = 327680
K_PER_W = E_PAD // (NW * EDGE_B)
NBUF = 2
ACC_ROWS = NUM_REL * NP
ROWS_PER_TILE = ACC_ROWS // NS
_EB = N_EDGES // 128
_EBP = E_PAD // 128

NBH = 1024
_NG = NPH // NBH


def _table_body(pairup, x_ref, wbd_ref, t_ref):
    x = x_ref[...]
    if pairup:
        x = x.reshape(NBH, 2 * IN_DIM)
    t_ref[...] = jnp.dot(x, wbd_ref[0], preferred_element_type=jnp.float32)


def _make_table_call(pairup, in_dim, n_rows):
    blk = (2 * NBH, in_dim) if pairup else (NBH, 2 * in_dim)
    return pl.pallas_call(
        functools.partial(_table_body, pairup),
        grid=(NUM_REL, _NG),
        in_specs=[
            pl.BlockSpec(blk, lambda r, i: (i, 0)),
            pl.BlockSpec((1, 2 * in_dim, 128), lambda r, i: (r, 0, 0)),
        ],
        out_specs=pl.BlockSpec((NBH, 128), lambda r, i: (r * _NG + i, 0)),
        out_shape=jax.ShapeDtypeStruct((ACC_ROWS // 2, 128), jnp.float32),
    )


_table1_call = _make_table_call(True, IN_DIM, N_NODES)
_table2_call = _make_table_call(False, HID_DIM, NPH)


def _root_body(pairup, x_ref, wbd_ref, b_ref, r_ref):
    x = x_ref[...]
    if pairup:
        x = x.reshape(NBH, 2 * IN_DIM)
    r_ref[...] = (jnp.dot(x, wbd_ref[...], preferred_element_type=jnp.float32)
                  + b_ref[...][None, :])


def _make_root_call(pairup, in_dim):
    blk = (2 * NBH, in_dim) if pairup else (NBH, 2 * in_dim)
    return pl.pallas_call(
        functools.partial(_root_body, pairup),
        grid=(_NG,),
        in_specs=[
            pl.BlockSpec(blk, lambda i: (i, 0)),
            pl.BlockSpec((2 * in_dim, 128), lambda i: (0, 0)),
            pl.BlockSpec((128,), lambda i: (0,)),
        ],
        out_specs=pl.BlockSpec((NBH, 128), lambda i: (i, 0)),
        out_shape=jax.ShapeDtypeStruct((NPH, 128), jnp.float32),
    )


_root1_call = _make_root_call(True, IN_DIM)
_root2_call = _make_root_call(False, HID_DIM)


def _edge_body(ei_ref, et_ref, gidx_ref, sidx_ref):
    lanes = jax.lax.broadcasted_iota(jnp.int32, (_EBP - _EB, 128), 1)
    rows = jax.lax.broadcasted_iota(jnp.int32, (_EBP - _EB, 128), 0)
    pad = N_NODES + (rows * 128 + lanes) % (NP - N_NODES)
    et = et_ref[...].reshape(_EB, 128)
    src = ei_ref[0].reshape(_EB, 128)
    dst = ei_ref[1].reshape(_EB, 128)
    g = jnp.concatenate([et * NP + src, pad], axis=0)
    s = jnp.concatenate([et * NP + dst, pad], axis=0)
    gidx_ref[...] = g.reshape(NW, K_PER_W, EDGE_B)
    sidx_ref[...] = s.reshape(NW, K_PER_W, EDGE_B)


_edge_call = pl.pallas_call(
    _edge_body,
    out_shape=(
        jax.ShapeDtypeStruct((NW, K_PER_W, EDGE_B), jnp.int32),
        jax.ShapeDtypeStruct((NW, K_PER_W, EDGE_B), jnp.int32),
    ),
)


def _pair_divisor(cnt_ref, r, n):
    c_even = jnp.maximum(cnt_ref[0, r, :, 0:1] + cnt_ref[1, r, :, 0:1], 1.0)
    c_odd = jnp.maximum(cnt_ref[0, r, :, 8:9] + cnt_ref[1, r, :, 8:9], 1.0)
    return jnp.concatenate([jnp.broadcast_to(c_even, (n, HID_DIM)),
                            jnp.broadcast_to(c_odd, (n, HID_DIM))], axis=1)


def _combine(acc_ref, cnt_ref, n):
    return ((acc_ref[0, 0] + acc_ref[1, 0]) / _pair_divisor(cnt_ref, 0, n)
            + (acc_ref[0, 1] + acc_ref[1, 1]) / _pair_divisor(cnt_ref, 1, n))


def _ln_half(h, g, b):
    mu = jnp.mean(h, axis=-1, keepdims=True)
    var = jnp.mean((h - mu) ** 2, axis=-1, keepdims=True)
    return (h - mu) / jnp.sqrt(var + 1e-5) * g + b


def _layer_norm_pair(h, g, b):
    return jnp.concatenate([_ln_half(h[:, 0:HID_DIM], g, b),
                            _ln_half(h[:, HID_DIM:128], g, b)], axis=1)


def _hid_body(r1_ref, acc_ref, cnt_ref, g_ref, bln_ref, h_ref):
    h = r1_ref[...] + _combine(acc_ref, cnt_ref, NBH)
    h = _layer_norm_pair(h, g_ref[...][None, :], bln_ref[...][None, :])
    h_ref[...] = 0.5 * h * (1.0 + lax.erf(h * (2.0 ** -0.5)))


_acc_spec = pl.BlockSpec((NC, NUM_REL, NBH, 128), lambda *g: (0, 0, g[-1], 0))
_cnt_spec = pl.BlockSpec((NC, NUM_REL, NBH, 16), lambda *g: (0, 0, g[-1], 0))
_vec_spec = pl.BlockSpec((HID_DIM,), lambda *g: (0,))
_row_spec = pl.BlockSpec((NBH, 128), lambda *g: (g[-1], 0))

_hid_call = pl.pallas_call(
    _hid_body,
    grid=(_NG,),
    in_specs=[_row_spec, _acc_spec, _cnt_spec, _vec_spec, _vec_spec],
    out_specs=_row_spec,
    out_shape=jax.ShapeDtypeStruct((NPH, 128), jnp.float32),
)

_FNB = 1000


def _final_body(r2_ref, acc_ref, cnt_ref, g_ref, bln_ref, out_ref):
    h = r2_ref[...] + _combine(acc_ref, cnt_ref, _FNB)
    out_ref[...] = _layer_norm_pair(h, g_ref[...][None, :], bln_ref[...][None, :])


_final_call = pl.pallas_call(
    _final_body,
    grid=(N_NODES // (2 * _FNB),),
    in_specs=[
        pl.BlockSpec((_FNB, 128), lambda i: (i, 0)),
        pl.BlockSpec((NC, NUM_REL, _FNB, 128), lambda i: (0, 0, i, 0)),
        pl.BlockSpec((NC, NUM_REL, _FNB, 16), lambda i: (0, 0, i, 0)),
        _vec_spec,
        _vec_spec,
    ],
    out_specs=pl.BlockSpec((_FNB, 128), lambda i: (i, 0)),
    out_shape=jax.ShapeDtypeStruct((N_NODES // 2, 128), jnp.float32),
)


_SC_MESH = plsc.VectorSubcoreMesh(core_axis_name="c", subcore_axis_name="s")


def _sc_scatter_body(with_cnt, *refs):
    if with_cnt:
        (t_hbm, gidx_hbm, sidx_hbm, z64_hbm, z8_hbm, ones_hbm,
         acc_hbm, cnt_hbm, gidx_v, sidx_v, rows_v, ones_v, acc_sh, cnt_sh,
         *gsems) = refs
    else:
        (t_hbm, gidx_hbm, sidx_hbm, z64_hbm,
         acc_hbm, gidx_v, sidx_v, rows_v, acc_sh, *gsems) = refs
    c = lax.axis_index("c")
    s = lax.axis_index("s")
    w = c * NS + s

    pltpu.sync_copy(gidx_hbm.at[w], gidx_v)
    pltpu.sync_copy(sidx_hbm.at[w], sidx_v)
    for b in range(NBUF):
        pltpu.async_copy(t_hbm.at[gidx_v.at[b]], rows_v.at[b], gsems[b])
    pltpu.sync_copy(z64_hbm, acc_sh.at[pl.ds(s * ROWS_PER_TILE, ROWS_PER_TILE)])
    if with_cnt:
        pltpu.sync_copy(z8_hbm, cnt_sh.at[pl.ds(s * ROWS_PER_TILE, ROWS_PER_TILE)])
        pltpu.sync_copy(ones_hbm, ones_v)
    plsc.subcore_barrier()

    @pl.loop(0, K_PER_W, step=NBUF)
    def _grp(g):
        for b in range(NBUF):
            j = g + b
            pltpu.make_async_copy(t_hbm.at[gidx_v.at[j]], rows_v.at[b],
                                  gsems[b]).wait()
            pltpu.sync_copy(rows_v.at[b], acc_sh.at[sidx_v.at[j]], add=True)
            if with_cnt:
                pltpu.sync_copy(ones_v, cnt_sh.at[sidx_v.at[j]], add=True)

            @pl.when(j + NBUF < K_PER_W)
            def _refill():
                pltpu.async_copy(t_hbm.at[gidx_v.at[j + NBUF]], rows_v.at[b],
                                 gsems[b])

    plsc.subcore_barrier()
    r = s // 8
    o = (s % 8) * ROWS_PER_TILE
    sl = pl.ds(s * ROWS_PER_TILE, ROWS_PER_TILE)
    pltpu.sync_copy(acc_sh.at[sl], acc_hbm.at[c, r, pl.ds(o, ROWS_PER_TILE)])
    if with_cnt:
        pltpu.sync_copy(cnt_sh.at[sl], cnt_hbm.at[c, r, pl.ds(o, ROWS_PER_TILE)])


_sc_scatter_cnt = pl.kernel(
    functools.partial(_sc_scatter_body, True),
    out_type=(
        jax.ShapeDtypeStruct((NC, NUM_REL, NP, HID_DIM), jnp.float32),
        jax.ShapeDtypeStruct((NC, NUM_REL, NP, 8), jnp.float32),
    ),
    mesh=_SC_MESH,
    scratch_types=[
        pltpu.VMEM((K_PER_W, EDGE_B), jnp.int32),
        pltpu.VMEM((K_PER_W, EDGE_B), jnp.int32),
        pltpu.VMEM((NBUF, EDGE_B, HID_DIM), jnp.float32),
        pltpu.VMEM((EDGE_B, 8), jnp.float32),
        pltpu.VMEM_SHARED((ACC_ROWS, HID_DIM), jnp.float32),
        pltpu.VMEM_SHARED((ACC_ROWS, 8), jnp.float32),
    ] + [pltpu.SemaphoreType.DMA] * NBUF,
    compiler_params=pltpu.CompilerParams(use_tc_tiling_on_sc=False),
)

_sc_scatter_nocnt = pl.kernel(
    functools.partial(_sc_scatter_body, False),
    out_type=jax.ShapeDtypeStruct((NC, NUM_REL, NP, HID_DIM), jnp.float32),
    mesh=_SC_MESH,
    scratch_types=[
        pltpu.VMEM((K_PER_W, EDGE_B), jnp.int32),
        pltpu.VMEM((K_PER_W, EDGE_B), jnp.int32),
        pltpu.VMEM((NBUF, EDGE_B, HID_DIM), jnp.float32),
        pltpu.VMEM_SHARED((ACC_ROWS, HID_DIM), jnp.float32),
    ] + [pltpu.SemaphoreType.DMA] * NBUF,
    compiler_params=pltpu.CompilerParams(use_tc_tiling_on_sc=False),
)


def _blockdiag(w):
    z = jnp.zeros_like(w)
    return jnp.concatenate([jnp.concatenate([w, z], axis=1),
                            jnp.concatenate([z, w], axis=1)], axis=0)


def kernel(x, edge_index, edge_type, W_rel1, W_root1, b1, ln1_g, ln1_b,
           W_rel2, W_root2, b2, ln2_g, ln2_b):
    wrel1_bd = jnp.stack([_blockdiag(W_rel1[0]), _blockdiag(W_rel1[1])])
    wrel2_bd = jnp.stack([_blockdiag(W_rel2[0]), _blockdiag(W_rel2[1])])
    wroot1_bd = _blockdiag(W_root1)
    wroot2_bd = _blockdiag(W_root2)
    b1p = jnp.concatenate([b1, b1])
    b2p = jnp.concatenate([b2, b2])

    t1 = _table1_call(x, wrel1_bd).reshape(ACC_ROWS, HID_DIM)
    gidx, sidx = _edge_call(edge_index, edge_type)

    z64 = jnp.zeros((ROWS_PER_TILE, HID_DIM), jnp.float32)
    z8 = jnp.zeros((ROWS_PER_TILE, 8), jnp.float32)
    ones8 = jnp.ones((EDGE_B, 8), jnp.float32)

    acc1, cnt = _sc_scatter_cnt(t1, gidx, sidx, z64, z8, ones8)
    acc1p = acc1.reshape(NC, NUM_REL, NPH, 128)
    cntp = cnt.reshape(NC, NUM_REL, NPH, 16)
    r1 = _root1_call(x, wroot1_bd, b1p)

    h = _hid_call(r1, acc1p, cntp, ln1_g, ln1_b)
    t2 = _table2_call(h, wrel2_bd).reshape(ACC_ROWS, HID_DIM)

    acc2 = _sc_scatter_nocnt(t2, gidx, sidx, z64)
    acc2p = acc2.reshape(NC, NUM_REL, NPH, 128)
    r2 = _root2_call(h, wroot2_bd, b2p)

    out = _final_call(r2, acc2p, cntp, ln2_g, ln2_b)
    return out.reshape(N_NODES, HID_DIM)

# --- scband reference (transcript-rebuilt; emitter-appended) ---
"""Pipeline reference for scband-rgcnmodule-60962765799960 (READ-ONLY COPY).

The authoritative reference and input builder live on the scoring server;
editing this copy changes nothing except your own understanding.
"""

import jax, jax.numpy as jnp
import numpy as np

N_NODES = 10000
N_EDGES = 320000
IN_DIM = 128
HID_DIM = 64
OUT_DIM = 64
NUM_REL = 2


def setup_inputs(seed: int = 0) -> dict:
    key = jax.random.key(seed)
    ks = jax.random.split(key, 12)
    inp = {}
    inp["x"] = jax.random.normal(ks[0], (N_NODES, IN_DIM), dtype=jnp.float32)
    inp["edge_index"] = jax.random.randint(ks[1], (2, N_EDGES), 0, N_NODES, dtype=jnp.int32)
    inp["edge_type"] = jax.random.randint(ks[2], (N_EDGES,), 0, NUM_REL, dtype=jnp.int32)
    # layer 1 params (RGCNConv: per-relation weight, root weight, bias) + LayerNorm
    inp["W_rel1"] = jax.random.normal(ks[3], (NUM_REL, IN_DIM, HID_DIM), dtype=jnp.float32) * 0.05
    inp["W_root1"] = jax.random.normal(ks[4], (IN_DIM, HID_DIM), dtype=jnp.float32) * 0.05
    inp["b1"] = jnp.zeros((HID_DIM,), dtype=jnp.float32)
    inp["ln1_g"] = jnp.ones((HID_DIM,), dtype=jnp.float32)
    inp["ln1_b"] = jnp.zeros((HID_DIM,), dtype=jnp.float32)
    # layer 2 params
    inp["W_rel2"] = jax.random.normal(ks[5], (NUM_REL, HID_DIM, OUT_DIM), dtype=jnp.float32) * 0.05
    inp["W_root2"] = jax.random.normal(ks[6], (HID_DIM, OUT_DIM), dtype=jnp.float32) * 0.05
    inp["b2"] = jnp.zeros((OUT_DIM,), dtype=jnp.float32)
    inp["ln2_g"] = jnp.ones((OUT_DIM,), dtype=jnp.float32)
    inp["ln2_b"] = jnp.zeros((OUT_DIM,), dtype=jnp.float32)
    return inp


def _layer_norm(h, g, b, eps=1e-5):
    mu = jnp.mean(h, axis=-1, keepdims=True)
    var = jnp.mean((h - mu) ** 2, axis=-1, keepdims=True)
    return (h - mu) / jnp.sqrt(var + eps) * g + b


def _rgcn_conv(h, src, dst, edge_type, W_rel, W_root, b, num_nodes):
    # PyG RGCNConv with aggr='mean': out = x @ W_root + b + sum_r mean_{j in N_r(i)} (x_j) @ W_r
    out = h @ W_root + b
    num_rel = W_rel.shape[0]
    for r in range(num_rel):
        m = (edge_type == r).astype(h.dtype)  # [E]
        msg = h[src] * m[:, None]  # gather + mask
        summed = jax.ops.segment_sum(msg, dst, num_segments=num_nodes)
        cnt = jax.ops.segment_sum(m, dst, num_segments=num_nodes)
        agg = summed / jnp.maximum(cnt, 1.0)[:, None]
        out = out + agg @ W_rel[r]
    return out


def reference(x, edge_index, edge_type, W_rel1, W_root1, b1, ln1_g, ln1_b, W_rel2, W_root2, b2, ln2_g, ln2_b):
    src = edge_index[0]
    dst = edge_index[1]
    n = x.shape[0]
    # layer 1: conv -> LayerNorm -> GELU -> dropout (eval: identity)
    h = _rgcn_conv(x, src, dst, edge_type, W_rel1, W_root1, b1, n)
    h = _layer_norm(h, ln1_g, ln1_b)
    h = jax.nn.gelu(h, approximate=False)
    # layer 2 (last): conv -> LayerNorm (no activation/dropout)
    h = _rgcn_conv(h, src, dst, edge_type, W_rel2, W_root2, b2, n)
    h = _layer_norm(h, ln2_g, ln2_b)
    return h

if __name__ == "__main__":
    import jax
    _d = setup_inputs()
    print(jax.jit(kernel)(*tuple(_d.values())))

</pallas_src>

<mosaic_0001>
#map = affine_map<(d0, d1) -> (0, 0)>
#map1 = affine_map<(d0, d1) -> (0, 0, 0)>
#map2 = affine_map<(d0, d1) -> (0, 0, 0, 0)>
module attributes {stable_mosaic.version = 14 : i64} {
  func.func @_sc_scatter_body(%arg0: i32, %arg1: i32, %arg2: memref<20480x64xf32, #tpu.memory_space<hbm>>, %arg3: memref<32x80x128xi32, #tpu.memory_space<hbm>>, %arg4: memref<32x80x128xi32, #tpu.memory_space<hbm>>, %arg5: memref<1280x64xf32, #tpu.memory_space<hbm>>, %arg6: memref<2x2x10240x64xf32, #tpu.memory_space<hbm>>, %arg7: memref<80x128xi32, #tpu.memory_space<vmem>>, %arg8: memref<80x128xi32, #tpu.memory_space<vmem>>, %arg9: memref<2x128x64xf32, #tpu.memory_space<vmem>>, %arg10: memref<20480x64xf32, #tpu.memory_space<vmem_shared>>, %arg11: memref<!tpu.dma_semaphore, #tpu.memory_space<semaphore_mem>>, %arg12: memref<!tpu.dma_semaphore, #tpu.memory_space<semaphore_mem>>) attributes {dimension_semantics = [#tpu.dimension_semantics<core_parallel>, #tpu.dimension_semantics<subcore_parallel>], iteration_bounds = array<i64: 2, 16>, scalar_prefetch = 0 : i64, scratch_operands = 6 : i64, tpu.core_type = #tpu.core_type<sc_vector_subcore>, window_params = [{transform_indices = #map}, {transform_indices = #map1}, {transform_indices = #map1}, {transform_indices = #map}, {transform_indices = #map2}]} {
    %mul3A = arith.constant 16 : i32
    %mul3A_0 = arith.muli %arg0, %mul3A : i32
    %add3A = arith.addi %mul3A_0, %arg1 : i32
    "tpu.region"() ({
      %run_scoped3A = tpu.sem_alloc : memref<!tpu.dma_semaphore, #tpu.memory_space<semaphore_mem>>
      %dma_start3A_65 = arith.constant 0 : i32
      %dma_start3A_66 = arith.constant 0 : i32
      %dma_start3A_67 = tpu.memref_slice %arg3[%add3A, %dma_start3A_65, %dma_start3A_66] : memref<32x80x128xi32, #tpu.memory_space<hbm>> -> memref<1x80x128xi32, #tpu.memory_space<hbm>>
      %dma_start3A_68 = tpu.memref_squeeze %dma_start3A_67 : memref<1x80x128xi32, #tpu.memory_space<hbm>> -> memref<80x128xi32, #tpu.memory_space<hbm>>
      %dma_start3A_69 = arith.constant 0 : i32
      %dma_start3A_70 = arith.constant 0 : i32
      %dma_start3A_71 = tpu.memref_slice %arg3[%add3A, %dma_start3A_69, %dma_start3A_70] : memref<32x80x128xi32, #tpu.memory_space<hbm>> -> memref<1x80x128xi32, #tpu.memory_space<hbm>>
      %dma_start3A_72 = tpu.memref_squeeze %dma_start3A_71 : memref<1x80x128xi32, #tpu.memory_space<hbm>> -> memref<80x128xi32, #tpu.memory_space<hbm>>
      tpu.enqueue_dma source(%dma_start3A_72 : memref<80x128xi32, #tpu.memory_space<hbm>>) target(%arg7 : memref<80x128xi32, #tpu.memory_space<vmem>>) target_semaphore(%run_scoped3A : memref<!tpu.dma_semaphore, #tpu.memory_space<semaphore_mem>>)
      %dma_wait3A = arith.constant 0 : i32
      %dma_wait3A_73 = arith.constant 0 : i32
      %dma_wait3A_74 = tpu.memref_slice %arg3[%add3A, %dma_wait3A, %dma_wait3A_73] : memref<32x80x128xi32, #tpu.memory_space<hbm>> -> memref<1x80x128xi32, #tpu.memory_space<hbm>>
      %dma_wait3A_75 = tpu.memref_squeeze %dma_wait3A_74 : memref<1x80x128xi32, #tpu.memory_space<hbm>> -> memref<80x128xi32, #tpu.memory_space<hbm>>
      %dma_wait3A_76 = arith.constant 0 : i32
      %dma_wait3A_77 = arith.constant 0 : i32
      %dma_wait3A_78 = tpu.memref_slice %arg3[%add3A, %dma_wait3A_76, %dma_wait3A_77] : memref<32x80x128xi32, #tpu.memory_space<hbm>> -> memref<1x80x128xi32, #tpu.memory_space<hbm>>
      %dma_wait3A_79 = tpu.memref_squeeze %dma_wait3A_78 : memref<1x80x128xi32, #tpu.memory_space<hbm>> -> memref<80x128xi32, #tpu.memory_space<hbm>>
      tpu.wait_dma2 semaphore(%run_scoped3A : memref<!tpu.dma_semaphore, #tpu.memory_space<semaphore_mem>>) src(%dma_wait3A_79 : memref<80x128xi32, #tpu.memory_space<hbm>>) dst(%arg7 : memref<80x128xi32, #tpu.memory_space<vmem>>)
      tpu.yield
    }) : () -> ()
    "tpu.region"() ({
      %run_scoped3A = tpu.sem_alloc : memref<!tpu.dma_semaphore, #tpu.memory_space<semaphore_mem>>
      %dma_start3A_65 = arith.constant 0 : i32
      %dma_start3A_66 = arith.constant 0 : i32
      %dma_start3A_67 = tpu.memref_slice %arg4[%add3A, %dma_start3A_65, %dma_start3A_66] : memref<32x80x128xi32, #tpu.memory_space<hbm>> -> memref<1x80x128xi32, #tpu.memory_space<hbm>>
      %dma_start3A_68 = tpu.memref_squeeze %dma_start3A_67 : memref<1x80x128xi32, #tpu.memory_space<hbm>> -> memref<80x128xi32, #tpu.memory_space<hbm>>
      %dma_start3A_69 = arith.constant 0 : i32
      %dma_start3A_70 = arith.constant 0 : i32
      %dma_start3A_71 = tpu.memref_slice %arg4[%add3A, %dma_start3A_69, %dma_start3A_70] : memref<32x80x128xi32, #tpu.memory_space<hbm>> -> memref<1x80x128xi32, #tpu.memory_space<hbm>>
      %dma_start3A_72 = tpu.memref_squeeze %dma_start3A_71 : memref<1x80x128xi32, #tpu.memory_space<hbm>> -> memref<80x128xi32, #tpu.memory_space<hbm>>
      tpu.enqueue_dma source(%dma_start3A_72 : memref<80x128xi32, #tpu.memory_space<hbm>>) target(%arg8 : memref<80x128xi32, #tpu.memory_space<vmem>>) target_semaphore(%run_scoped3A : memref<!tpu.dma_semaphore, #tpu.memory_space<semaphore_mem>>)
      %dma_wait3A = arith.constant 0 : i32
      %dma_wait3A_73 = arith.constant 0 : i32
      %dma_wait3A_74 = tpu.memref_slice %arg4[%add3A, %dma_wait3A, %dma_wait3A_73] : memref<32x80x128xi32, #tpu.memory_space<hbm>> -> memref<1x80x128xi32, #tpu.memory_space<hbm>>
      %dma_wait3A_75 = tpu.memref_squeeze %dma_wait3A_74 : memref<1x80x128xi32, #tpu.memory_space<hbm>> -> memref<80x128xi32, #tpu.memory_space<hbm>>
      %dma_wait3A_76 = arith.constant 0 : i32
      %dma_wait3A_77 = arith.constant 0 : i32
      %dma_wait3A_78 = tpu.memref_slice %arg4[%add3A, %dma_wait3A_76, %dma_wait3A_77] : memref<32x80x128xi32, #tpu.memory_space<hbm>> -> memref<1x80x128xi32, #tpu.memory_space<hbm>>
      %dma_wait3A_79 = tpu.memref_squeeze %dma_wait3A_78 : memref<1x80x128xi32, #tpu.memory_space<hbm>> -> memref<80x128xi32, #tpu.memory_space<hbm>>
      tpu.wait_dma2 semaphore(%run_scoped3A : memref<!tpu.dma_semaphore, #tpu.memory_space<semaphore_mem>>) src(%dma_wait3A_79 : memref<80x128xi32, #tpu.memory_space<hbm>>) dst(%arg8 : memref<80x128xi32, #tpu.memory_space<vmem>>)
      tpu.yield
    }) : () -> ()
    %dma_start3A = arith.constant 0 : i32
    %dma_start3A_1 = arith.constant 0 : i32
    %dma_start3A_2 = arith.constant 0 : i32
    %dma_start3A_3 = arith.constant 0 : i32
    %dma_start3A_4 = tpu.memref_slice %arg9[%dma_start3A_1, %dma_start3A_2, %dma_start3A_3] : memref<2x128x64xf32, #tpu.memory_space<vmem>> -> memref<1x128x64xf32, #tpu.memory_space<vmem>>
    %dma_start3A_5 = tpu.memref_squeeze %dma_start3A_4 : memref<1x128x64xf32, #tpu.memory_space<vmem>> -> memref<128x64xf32, #tpu.memory_space<vmem>>
    %dma_start3A_6 = arith.constant 0 : i32
    %dma_start3A_7 = tpu.memref_slice %arg7[%dma_start3A, %dma_start3A_6] : memref<80x128xi32, #tpu.memory_space<vmem>> -> memref<1x128xi32, #tpu.memory_space<vmem>>
    %dma_start3A_8 = tpu.memref_squeeze %dma_start3A_7 : memref<1x128xi32, #tpu.memory_space<vmem>> -> memref<128xi32, #tpu.memory_space<vmem>>
    %dma_start3A_9 = arith.constant 0 : i32
    %dma_start3A_10 = arith.constant 0 : i32
    %dma_start3A_11 = tpu.memref_slice %arg2[%dma_start3A_9, %dma_start3A_10] : memref<20480x64xf32, #tpu.memory_space<hbm>> -> memref<20480x64xf32, #tpu.memory_space<hbm>>
    tpu.enqueue_indirect_dma source(%dma_start3A_11 : memref<20480x64xf32, #tpu.memory_space<hbm>>) target(%dma_start3A_5 : memref<128x64xf32, #tpu.memory_space<vmem>>) offsets(%dma_start3A_8 : memref<128xi32, #tpu.memory_space<vmem>>) semaphore(%arg11 : memref<!tpu.dma_semaphore, #tpu.memory_space<semaphore_mem>>)
    %dma_start3A_12 = arith.constant 1 : i32
    %dma_start3A_13 = arith.constant 1 : i32
    %dma_start3A_14 = arith.constant 0 : i32
    %dma_start3A_15 = arith.constant 0 : i32
    %dma_start3A_16 = tpu.memref_slice %arg9[%dma_start3A_13, %dma_start3A_14, %dma_start3A_15] : memref<2x128x64xf32, #tpu.memory_space<vmem>> -> memref<1x128x64xf32, #tpu.memory_space<vmem>>
    %dma_start3A_17 = tpu.memref_squeeze %dma_start3A_16 : memref<1x128x64xf32, #tpu.memory_space<vmem>> -> memref<128x64xf32, #tpu.memory_space<vmem>>
    %dma_start3A_18 = arith.constant 0 : i32
    %dma_start3A_19 = tpu.memref_slice %arg7[%dma_start3A_12, %dma_start3A_18] : memref<80x128xi32, #tpu.memory_space<vmem>> -> memref<1x128xi32, #tpu.memory_space<vmem>>
    %dma_start3A_20 = tpu.memref_squeeze %dma_start3A_19 : memref<1x128xi32, #tpu.memory_space<vmem>> -> memref<128xi32, #tpu.memory_space<vmem>>
    %dma_start3A_21 = arith.constant 0 : i32
    %dma_start3A_22 = arith.constant 0 : i32
    %dma_start3A_23 = tpu.memref_slice %arg2[%dma_start3A_21, %dma_start3A_22] : memref<20480x64xf32, #tpu.memory_space<hbm>> -> memref<20480x64xf32, #tpu.memory_space<hbm>>
    tpu.enqueue_indirect_dma source(%dma_start3A_23 : memref<20480x64xf32, #tpu.memory_space<hbm>>) target(%dma_start3A_17 : memref<128x64xf32, #tpu.memory_space<vmem>>) offsets(%dma_start3A_20 : memref<128xi32, #tpu.memory_space<vmem>>) semaphore(%arg12 : memref<!tpu.dma_semaphore, #tpu.memory_space<semaphore_mem>>)
    %mul3A_24 = arith.constant 1280 : i32
    %mul3A_25 = arith.muli %arg1, %mul3A_24 : i32
    "tpu.region"() ({
      %run_scoped3A = tpu.sem_alloc : memref<!tpu.dma_semaphore, #tpu.memory_space<semaphore_mem>>
      %dma_start3A_65 = arith.constant 0 : i32
      %dma_start3A_66 = tpu.memref_slice %arg10[%mul3A_25, %dma_start3A_65] : memref<20480x64xf32, #tpu.memory_space<vmem_shared>> -> memref<1280x64xf32, #tpu.memory_space<vmem_shared>>
      tpu.enqueue_dma source(%arg5 : memref<1280x64xf32, #tpu.memory_space<hbm>>) target(%dma_start3A_66 : memref<1280x64xf32, #tpu.memory_space<vmem_shared>>) target_semaphore(%run_scoped3A : memref<!tpu.dma_semaphore, #tpu.memory_space<semaphore_mem>>)
      %dma_wait3A = arith.constant 0 : i32
      %dma_wait3A_67 = tpu.memref_slice %arg10[%mul3A_25, %dma_wait3A] : memref<20480x64xf32, #tpu.memory_space<vmem_shared>> -> memref<1280x64xf32, #tpu.memory_space<vmem_shared>>
      tpu.wait_dma2 semaphore(%run_scoped3A : memref<!tpu.dma_semaphore, #tpu.memory_space<semaphore_mem>>) src(%arg5 : memref<1280x64xf32, #tpu.memory_space<hbm>>) dst(%dma_wait3A_67 : memref<1280x64xf32, #tpu.memory_space<vmem_shared>>)
      tpu.yield
    }) : () -> ()
    %barrier3A = arith.constant 0 : index
    tpu.barrier barrier_id(%barrier3A)
    %scan3A = arith.constant 0 : i32
    %scan3A_26 = arith.constant 40 : i32
    %scan3A_27 = arith.addi %scan3A, %scan3A_26 : i32
    %scan3A_28 = arith.constant 1 : i32
    scf.for %scan3A_65 = %scan3A to %scan3A_27 step %scan3A_28  : i32 {
      %mul3A_66 = arith.constant 2 : i32
      %mul3A_67 = arith.muli %scan3A_65, %mul3A_66 : i32
      %add3A_68 = arith.constant 0 : i32
      %add3A_69 = arith.addi %add3A_68, %mul3A_67 : i32
      %add3A_70 = arith.constant 0 : i32
      %add3A_71 = arith.addi %add3A_69, %add3A_70 : i32
      %dma_wait3A = arith.constant 0 : i32
      %dma_wait3A_72 = arith.constant 0 : i32
      %dma_wait3A_73 = arith.constant 0 : i32
      %dma_wait3A_74 = tpu.memref_slice %arg9[%dma_wait3A, %dma_wait3A_72, %dma_wait3A_73] : memref<2x128x64xf32, #tpu.memory_space<vmem>> -> memref<1x128x64xf32, #tpu.memory_space<vmem>>
      %dma_wait3A_75 = tpu.memref_squeeze %dma_wait3A_74 : memref<1x128x64xf32, #tpu.memory_space<vmem>> -> memref<128x64xf32, #tpu.memory_space<vmem>>
      %dma_wait3A_76 = arith.constant 0 : i32
      %dma_wait3A_77 = tpu.memref_slice %arg7[%add3A_71, %dma_wait3A_76] : memref<80x128xi32, #tpu.memory_space<vmem>> -> memref<1x128xi32, #tpu.memory_space<vmem>>
      %dma_wait3A_78 = tpu.memref_squeeze %dma_wait3A_77 : memref<1x128xi32, #tpu.memory_space<vmem>> -> memref<128xi32, #tpu.memory_space<vmem>>
      %dma_wait3A_79 = arith.constant 0 : i32
      %dma_wait3A_80 = arith.constant 0 : i32
      %dma_wait3A_81 = tpu.memref_slice %arg2[%dma_wait3A_79, %dma_wait3A_80] : memref<20480x64xf32, #tpu.memory_space<hbm>> -> memref<20480x64xf32, #tpu.memory_space<hbm>>
      tpu.wait_indirect_dma semaphore(%arg11 : memref<!tpu.dma_semaphore, #tpu.memory_space<semaphore_mem>>) src(%dma_wait3A_81 : memref<20480x64xf32, #tpu.memory_space<hbm>>) dst(%dma_wait3A_75 : memref<128x64xf32, #tpu.memory_space<vmem>>)
      %run_scoped3A = arith.constant 0 : i32
      "tpu.region"() ({
        %run_scoped3A_108 = tpu.sem_alloc : memref<!tpu.dma_semaphore, #tpu.memory_space<semaphore_mem>>
        %dma_start3A_109 = arith.constant 0 : i32
        %dma_start3A_110 = arith.constant 0 : i32
        %dma_start3A_111 = tpu.memref_slice %arg9[%run_scoped3A, %dma_start3A_109, %dma_start3A_110] : memref<2x128x64xf32, #tpu.memory_space<vmem>> -> memref<1x128x64xf32, #tpu.memory_space<vmem>>
        %dma_start3A_112 = tpu.memref_squeeze %dma_start3A_111 : memref<1x128x64xf32, #tpu.memory_space<vmem>> -> memref<128x64xf32, #tpu.memory_space<vmem>>
        %dma_start3A_113 = arith.constant 0 : i32
        %dma_start3A_114 = tpu.memref_slice %arg8[%add3A_71, %dma_start3A_113] : memref<80x128xi32, #tpu.memory_space<vmem>> -> memref<1x128xi32, #tpu.memory_space<vmem>>
        %dma_start3A_115 = tpu.memref_squeeze %dma_start3A_114 : memref<1x128xi32, #tpu.memory_space<vmem>> -> memref<128xi32, #tpu.memory_space<vmem>>
        %dma_start3A_116 = arith.constant 0 : i32
        %dma_start3A_117 = arith.constant 0 : i32
        %dma_start3A_118 = tpu.memref_slice %arg10[%dma_start3A_116, %dma_start3A_117] : memref<20480x64xf32, #tpu.memory_space<vmem_shared>> -> memref<20480x64xf32, #tpu.memory_space<vmem_shared>>
        tpu.enqueue_indirect_dma source(%dma_start3A_112 : memref<128x64xf32, #tpu.memory_space<vmem>>) target(%dma_start3A_118 : memref<20480x64xf32, #tpu.memory_space<vmem_shared>>) offsets(%dma_start3A_115 : memref<128xi32, #tpu.memory_space<vmem>>) semaphore(%run_scoped3A_108 : memref<!tpu.dma_semaphore, #tpu.memory_space<semaphore_mem>>) {add = true}
        %dma_wait3A_119 = arith.constant 0 : i32
        %dma_wait3A_120 = arith.constant 0 : i32
        %dma_wait3A_121 = tpu.memref_slice %arg9[%run_scoped3A, %dma_wait3A_119, %dma_wait3A_120] : memref<2x128x64xf32, #tpu.memory_space<vmem>> -> memref<1x128x64xf32, #tpu.memory_space<vmem>>
        %dma_wait3A_122 = tpu.memref_squeeze %dma_wait3A_121 : memref<1x128x64xf32, #tpu.memory_space<vmem>> -> memref<128x64xf32, #tpu.memory_space<vmem>>
        %dma_wait3A_123 = arith.constant 0 : i32
        %dma_wait3A_124 = tpu.memref_slice %arg8[%add3A_71, %dma_wait3A_123] : memref<80x128xi32, #tpu.memory_space<vmem>> -> memref<1x128xi32, #tpu.memory_space<vmem>>
        %dma_wait3A_125 = tpu.memref_squeeze %dma_wait3A_124 : memref<1x128xi32, #tpu.memory_space<vmem>> -> memref<128xi32, #tpu.memory_space<vmem>>
        %dma_wait3A_126 = arith.constant 0 : i32
        %dma_wait3A_127 = arith.constant 0 : i32
        %dma_wait3A_128 = tpu.memref_slice %arg10[%dma_wait3A_126, %dma_wait3A_127] : memref<20480x64xf32, #tpu.memory_space<vmem_shared>> -> memref<20480x64xf32, #tpu.memory_space<vmem_shared>>
        tpu.wait_indirect_dma semaphore(%run_scoped3A_108 : memref<!tpu.dma_semaphore, #tpu.memory_space<semaphore_mem>>) src(%dma_wait3A_122 : memref<128x64xf32, #tpu.memory_space<vmem>>) dst(%dma_wait3A_128 : memref<20480x64xf32, #tpu.memory_space<vmem_shared>>)
        tpu.yield
      }) : () -> ()
      %add3A_82 = arith.constant 2 : i32
      %add3A_83 = arith.addi %add3A_71, %add3A_82 : i32
      %lt3A_84 = arith.constant 80 : i32
      %lt3A_85 = arith.cmpi slt, %add3A_83, %lt3A_84 : i32
      %convert_element_type3A = arith.extui %lt3A_85 : i1 to i32
      %cond3A = arith.constant 0 : i32
      %cond3A_86 = arith.cmpi ne, %convert_element_type3A, %cond3A : i32
      scf.if %cond3A_86 {
        %add3A_108 = arith.constant 2 : i32
        %add3A_109 = arith.addi %add3A_71, %add3A_108 : i32
        %dma_start3A_110 = arith.constant 0 : i32
        %dma_start3A_111 = arith.constant 0 : i32
        %dma_start3A_112 = arith.constant 0 : i32
        %dma_start3A_113 = tpu.memref_slice %arg9[%dma_start3A_110, %dma_start3A_111, %dma_start3A_112] : memref<2x128x64xf32, #tpu.memory_space<vmem>> -> memref<1x128x64xf32, #tpu.memory_space<vmem>>
        %dma_start3A_114 = tpu.memref_squeeze %dma_start3A_113 : memref<1x128x64xf32, #tpu.memory_space<vmem>> -> memref<128x64xf32, #tpu.memory_space<vmem>>
        %dma_start3A_115 = arith.constant 0 : i32
        %dma_start3A_116 = tpu.memref_slice %arg7[%add3A_109, %dma_start3A_115] : memref<80x128xi32, #tpu.memory_space<vmem>> -> memref<1x128xi32, #tpu.memory_space<vmem>>
        %dma_start3A_117 = tpu.memref_squeeze %dma_start3A_116 : memref<1x128xi32, #tpu.memory_space<vmem>> -> memref<128xi32, #tpu.memory_space<vmem>>
        %dma_start3A_118 = arith.constant 0 : i32
        %dma_start3A_119 = arith.constant 0 : i32
        %dma_start3A_120 = tpu.memref_slice %arg2[%dma_start3A_118, %dma_start3A_119] : memref<20480x64xf32, #tpu.memory_space<hbm>> -> memref<20480x64xf32, #tpu.memory_space<hbm>>
        tpu.enqueue_indirect_dma source(%dma_start3A_120 : memref<20480x64xf32, #tpu.memory_space<hbm>>) target(%dma_start3A_114 : memref<128x64xf32, #tpu.memory_space<vmem>>) offsets(%dma_start3A_117 : memref<128xi32, #tpu.memory_space<vmem>>) semaphore(%arg11 : memref<!tpu.dma_semaphore, #tpu.memory_space<semaphore_mem>>)
      } else {
      }
      %add3A_87 = arith.constant 1 : i32
      %add3A_88 = arith.addi %add3A_69, %add3A_87 : i32
      %dma_wait3A_89 = arith.constant 1 : i32
      %dma_wait3A_90 = arith.constant 0 : i32
      %dma_wait3A_91 = arith.constant 0 : i32
      %dma_wait3A_92 = tpu.memref_slice %arg9[%dma_wait3A_89, %dma_wait3A_90, %dma_wait3A_91] : memref<2x128x64xf32, #tpu.memory_space<vmem>> -> memref<1x128x64xf32, #tpu.memory_space<vmem>>
      %dma_wait3A_93 = tpu.memref_squeeze %dma_wait3A_92 : memref<1x128x64xf32, #tpu.memory_space<vmem>> -> memref<128x64xf32, #tpu.memory_space<vmem>>
      %dma_wait3A_94 = arith.constant 0 : i32
      %dma_wait3A_95 = tpu.memref_slice %arg7[%add3A_88, %dma_wait3A_94] : memref<80x128xi32, #tpu.memory_space<vmem>> -> memref<1x128xi32, #tpu.memory_space<vmem>>
      %dma_wait3A_96 = tpu.memref_squeeze %dma_wait3A_95 : memref<1x128xi32, #tpu.memory_space<vmem>> -> memref<128xi32, #tpu.memory_space<vmem>>
      %dma_wait3A_97 = arith.constant 0 : i32
      %dma_wait3A_98 = arith.constant 0 : i32
      %dma_wait3A_99 = tpu.memref_slice %arg2[%dma_wait3A_97, %dma_wait3A_98] : memref<20480x64xf32, #tpu.memory_space<hbm>> -> memref<20480x64xf32, #tpu.memory_space<hbm>>
      tpu.wait_indirect_dma semaphore(%arg12 : memref<!tpu.dma_semaphore, #tpu.memory_space<semaphore_mem>>) src(%dma_wait3A_99 : memref<20480x64xf32, #tpu.memory_space<hbm>>) dst(%dma_wait3A_93 : memref<128x64xf32, #tpu.memory_space<vmem>>)
      %run_scoped3A_100 = arith.constant 1 : i32
      "tpu.region"() ({
        %run_scoped3A_108 = tpu.sem_alloc : memref<!tpu.dma_semaphore, #tpu.memory_space<semaphore_mem>>
        %dma_start3A_109 = arith.constant 0 : i32
        %dma_start3A_110 = arith.constant 0 : i32
        %dma_start3A_111 = tpu.memref_slice %arg9[%run_scoped3A_100, %dma_start3A_109, %dma_start3A_110] : memref<2x128x64xf32, #tpu.memory_space<vmem>> -> memref<1x128x64xf32, #tpu.memory_space<vmem>>
        %dma_start3A_112 = tpu.memref_squeeze %dma_start3A_111 : memref<1x128x64xf32, #tpu.memory_space<vmem>> -> memref<128x64xf32, #tpu.memory_space<vmem>>
        %dma_start3A_113 = arith.constant 0 : i32
        %dma_start3A_114 = tpu.memref_slice %arg8[%add3A_88, %dma_start3A_113] : memref<80x128xi32, #tpu.memory_space<vmem>> -> memref<1x128xi32, #tpu.memory_space<vmem>>
        %dma_start3A_115 = tpu.memref_squeeze %dma_start3A_114 : memref<1x128xi32, #tpu.memory_space<vmem>> -> memref<128xi32, #tpu.memory_space<vmem>>
        %dma_start3A_116 = arith.constant 0 : i32
        %dma_start3A_117 = arith.constant 0 : i32
        %dma_start3A_118 = tpu.memref_slice %arg10[%dma_start3A_116, %dma_start3A_117] : memref<20480x64xf32, #tpu.memory_space<vmem_shared>> -> memref<20480x64xf32, #tpu.memory_space<vmem_shared>>
        tpu.enqueue_indirect_dma source(%dma_start3A_112 : memref<128x64xf32, #tpu.memory_space<vmem>>) target(%dma_start3A_118 : memref<20480x64xf32, #tpu.memory_space<vmem_shared>>) offsets(%dma_start3A_115 : memref<128xi32, #tpu.memory_space<vmem>>) semaphore(%run_scoped3A_108 : memref<!tpu.dma_semaphore, #tpu.memory_space<semaphore_mem>>) {add = true}
        %dma_wait3A_119 = arith.constant 0 : i32
        %dma_wait3A_120 = arith.constant 0 : i32
        %dma_wait3A_121 = tpu.memref_slice %arg9[%run_scoped3A_100, %dma_wait3A_119, %dma_wait3A_120] : memref<2x128x64xf32, #tpu.memory_space<vmem>> -> memref<1x128x64xf32, #tpu.memory_space<vmem>>
        %dma_wait3A_122 = tpu.memref_squeeze %dma_wait3A_121 : memref<1x128x64xf32, #tpu.memory_space<vmem>> -> memref<128x64xf32, #tpu.memory_space<vmem>>
        %dma_wait3A_123 = arith.constant 0 : i32
        %dma_wait3A_124 = tpu.memref_slice %arg8[%add3A_88, %dma_wait3A_123] : memref<80x128xi32, #tpu.memory_space<vmem>> -> memref<1x128xi32, #tpu.memory_space<vmem>>
        %dma_wait3A_125 = tpu.memref_squeeze %dma_wait3A_124 : memref<1x128xi32, #tpu.memory_space<vmem>> -> memref<128xi32, #tpu.memory_space<vmem>>
        %dma_wait3A_126 = arith.constant 0 : i32
        %dma_wait3A_127 = arith.constant 0 : i32
        %dma_wait3A_128 = tpu.memref_slice %arg10[%dma_wait3A_126, %dma_wait3A_127] : memref<20480x64xf32, #tpu.memory_space<vmem_shared>> -> memref<20480x64xf32, #tpu.memory_space<vmem_shared>>
        tpu.wait_indirect_dma semaphore(%run_scoped3A_108 : memref<!tpu.dma_semaphore, #tpu.memory_space<semaphore_mem>>) src(%dma_wait3A_122 : memref<128x64xf32, #tpu.memory_space<vmem>>) dst(%dma_wait3A_128 : memref<20480x64xf32, #tpu.memory_space<vmem_shared>>)
        tpu.yield
      }) : () -> ()
      %add3A_101 = arith.constant 2 : i32
      %add3A_102 = arith.addi %add3A_88, %add3A_101 : i32
      %lt3A_103 = arith.constant 80 : i32
      %lt3A_104 = arith.cmpi slt, %add3A_102, %lt3A_103 : i32
      %convert_element_type3A_105 = arith.extui %lt3A_104 : i1 to i32
      %cond3A_106 = arith.constant 0 : i32
      %cond3A_107 = arith.cmpi ne, %convert_element_type3A_105, %cond3A_106 : i32
      scf.if %cond3A_107 {
        %add3A_108 = arith.constant 2 : i32
        %add3A_109 = arith.addi %add3A_88, %add3A_108 : i32
        %dma_start3A_110 = arith.constant 1 : i32
        %dma_start3A_111 = arith.constant 0 : i32
        %dma_start3A_112 = arith.constant 0 : i32
        %dma_start3A_113 = tpu.memref_slice %arg9[%dma_start3A_110, %dma_start3A_111, %dma_start3A_112] : memref<2x128x64xf32, #tpu.memory_space<vmem>> -> memref<1x128x64xf32, #tpu.memory_space<vmem>>
        %dma_start3A_114 = tpu.memref_squeeze %dma_start3A_113 : memref<1x128x64xf32, #tpu.memory_space<vmem>> -> memref<128x64xf32, #tpu.memory_space<vmem>>
        %dma_start3A_115 = arith.constant 0 : i32
        %dma_start3A_116 = tpu.memref_slice %arg7[%add3A_109, %dma_start3A_115] : memref<80x128xi32, #tpu.memory_space<vmem>> -> memref<1x128xi32, #tpu.memory_space<vmem>>
        %dma_start3A_117 = tpu.memref_squeeze %dma_start3A_116 : memref<1x128xi32, #tpu.memory_space<vmem>> -> memref<128xi32, #tpu.memory_space<vmem>>
        %dma_start3A_118 = arith.constant 0 : i32
        %dma_start3A_119 = arith.constant 0 : i32
        %dma_start3A_120 = tpu.memref_slice %arg2[%dma_start3A_118, %dma_start3A_119] : memref<20480x64xf32, #tpu.memory_space<hbm>> -> memref<20480x64xf32, #tpu.memory_space<hbm>>
        tpu.enqueue_indirect_dma source(%dma_start3A_120 : memref<20480x64xf32, #tpu.memory_space<hbm>>) target(%dma_start3A_114 : memref<128x64xf32, #tpu.memory_space<vmem>>) offsets(%dma_start3A_117 : memref<128xi32, #tpu.memory_space<vmem>>) semaphore(%arg12 : memref<!tpu.dma_semaphore, #tpu.memory_space<semaphore_mem>>)
      } else {
      }
    }
    %scan3A_29 = arith.constant 40 : i32
    %barrier3A_30 = arith.constant 0 : index
    tpu.barrier barrier_id(%barrier3A_30)
    %jit3A = arith.constant 8 : i32
    %div3A = arith.divsi %arg1, %jit3A : i32
    %sign3A = arith.constant 0 : i32
    %sign3A_31 = arith.cmpi sgt, %arg1, %sign3A : i32
    %sign3A_32 = arith.extui %sign3A_31 : i1 to i32
    %sign3A_33 = arith.constant 0 : i32
    %sign3A_34 = arith.cmpi slt, %arg1, %sign3A_33 : i32
    %sign3A_35 = arith.extui %sign3A_34 : i1 to i32
    %sign3A_36 = arith.subi %sign3A_32, %sign3A_35 : i32
    %sign3A_37 = arith.constant 0 : i32
    %sign3A_38 = arith.cmpi sgt, %jit3A, %sign3A_37 : i32
    %sign3A_39 = arith.extui %sign3A_38 : i1 to i32
    %sign3A_40 = arith.constant 0 : i32
    %sign3A_41 = arith.cmpi slt, %jit3A, %sign3A_40 : i32
    %sign3A_42 = arith.extui %sign3A_41 : i1 to i32
    %sign3A_43 = arith.subi %sign3A_39, %sign3A_42 : i32
    %ne3A = arith.cmpi ne, %sign3A_36, %sign3A_43 : i32
    %rem3A = arith.remsi %arg1, %jit3A : i32
    %ne3A_44 = arith.constant 0 : i32
    %ne3A_45 = arith.cmpi ne, %rem3A, %ne3A_44 : i32
    %and3A = arith.andi %ne3A, %ne3A_45 : i1
    %sub3A = arith.constant 1 : i32
    %sub3A_46 = arith.subi %div3A, %sub3A : i32
    %select_n3A = arith.select %and3A, %sub3A_46, %div3A : i32
    %jit3A_47 = arith.constant 8 : i32
    %eq3A = arith.constant 0 : i32
    %eq3A_48 = arith.cmpi eq, %jit3A_47, %eq3A : i32
    %jit3A_49 = arith.constant 1 : i32
    %select_n3A_50 = arith.select %eq3A_48, %jit3A_49, %jit3A_47 : i32
    %rem3A_51 = arith.remsi %arg1, %select_n3A_50 : i32
    %ne3A_52 = arith.constant 0 : i32
    %ne3A_53 = arith.cmpi ne, %rem3A_51, %ne3A_52 : i32
    %lt3A = arith.constant 0 : i32
    %lt3A_54 = arith.cmpi slt, %rem3A_51, %lt3A : i32
    %lt3A_55 = arith.constant 0 : i32
    %lt3A_56 = arith.cmpi slt, %select_n3A_50, %lt3A_55 : i32
    %ne3A_57 = arith.xori %lt3A_54, %lt3A_56 : i1
    %and3A_58 = arith.andi %ne3A_57, %ne3A_53 : i1
    %add3A_59 = arith.addi %rem3A_51, %select_n3A_50 : i32
    %select_n3A_60 = arith.select %and3A_58, %add3A_59, %rem3A_51 : i32
    %mul3A_61 = arith.constant 1280 : i32
    %mul3A_62 = arith.muli %select_n3A_60, %mul3A_61 : i32
    %mul3A_63 = arith.constant 1280 : i32
    %mul3A_64 = arith.muli %arg1, %mul3A_63 : i32
    "tpu.region"() ({
      %run_scoped3A = tpu.sem_alloc : memref<!tpu.dma_semaphore, #tpu.memory_space<semaphore_mem>>
      %dma_start3A_65 = arith.constant 0 : i32
      %dma_start3A_66 = tpu.memref_slice %arg6[%arg0, %select_n3A, %mul3A_62, %dma_start3A_65] : memref<2x2x10240x64xf32, #tpu.memory_space<hbm>> -> memref<1x1x1280x64xf32, #tpu.memory_space<hbm>>
      %dma_start3A_67 = tpu.memref_squeeze %dma_start3A_66 : memref<1x1x1280x64xf32, #tpu.memory_space<hbm>> -> memref<1280x64xf32, #tpu.memory_space<hbm>>
      %dma_start3A_68 = arith.constant 0 : i32
      %dma_start3A_69 = tpu.memref_slice %arg10[%mul3A_64, %dma_start3A_68] : memref<20480x64xf32, #tpu.memory_space<vmem_shared>> -> memref<1280x64xf32, #tpu.memory_space<vmem_shared>>
      tpu.enqueue_dma source(%dma_start3A_69 : memref<1280x64xf32, #tpu.memory_space<vmem_shared>>) target(%dma_start3A_67 : memref<1280x64xf32, #tpu.memory_space<hbm>>) target_semaphore(%run_scoped3A : memref<!tpu.dma_semaphore, #tpu.memory_space<semaphore_mem>>)
      %dma_wait3A = arith.constant 0 : i32
      %dma_wait3A_70 = tpu.memref_slice %arg6[%arg0, %select_n3A, %mul3A_62, %dma_wait3A] : memref<2x2x10240x64xf32, #tpu.memory_space<hbm>> -> memref<1x1x1280x64xf32, #tpu.memory_space<hbm>>
      %dma_wait3A_71 = tpu.memref_squeeze %dma_wait3A_70 : memref<1x1x1280x64xf32, #tpu.memory_space<hbm>> -> memref<1280x64xf32, #tpu.memory_space<hbm>>
      %dma_wait3A_72 = arith.constant 0 : i32
      %dma_wait3A_73 = tpu.memref_slice %arg10[%mul3A_64, %dma_wait3A_72] : memref<20480x64xf32, #tpu.memory_space<vmem_shared>> -> memref<1280x64xf32, #tpu.memory_space<vmem_shared>>
      tpu.wait_dma2 semaphore(%run_scoped3A : memref<!tpu.dma_semaphore, #tpu.memory_space<semaphore_mem>>) src(%dma_wait3A_73 : memref<1280x64xf32, #tpu.memory_space<vmem_shared>>) dst(%dma_wait3A_71 : memref<1280x64xf32, #tpu.memory_space<hbm>>)
      tpu.yield
    }) : () -> ()
    return
  }
}

#map = affine_map<(d0, d1) -> (0, 0)>
#map1 = affine_map<(d0, d1) -> (0, 0, 0)>
#map2 = affine_map<(d0, d1) -> (0, 0, 0, 0)>
module attributes {stable_mosaic.version = 14 : i64} {
  func.func @_sc_scatter_body(%arg0: i32, %arg1: i32, %arg2: memref<20480x64xf32, #tpu.memory_space<hbm>>, %arg3: memref<32x80x128xi32, #tpu.memory_space<hbm>>, %arg4: memref<32x80x128xi32, #tpu.memory_space<hbm>>, %arg5: memref<1280x64xf32, #tpu.memory_space<hbm>>, %arg6: memref<1280x8xf32, #tpu.memory_space<hbm>>, %arg7: memref<128x8xf32, #tpu.memory_space<hbm>>, %arg8: memref<2x2x10240x64xf32, #tpu.memory_space<hbm>>, %arg9: memref<2x2x10240x8xf32, #tpu.memory_space<hbm>>, %arg10: memref<80x128xi32, #tpu.memory_space<vmem>>, %arg11: memref<80x128xi32, #tpu.memory_space<vmem>>, %arg12: memref<2x128x64xf32, #tpu.memory_space<vmem>>, %arg13: memref<128x8xf32, #tpu.memory_space<vmem>>, %arg14: memref<20480x64xf32, #tpu.memory_space<vmem_shared>>, %arg15: memref<20480x8xf32, #tpu.memory_space<vmem_shared>>, %arg16: memref<!tpu.dma_semaphore, #tpu.memory_space<semaphore_mem>>, %arg17: memref<!tpu.dma_semaphore, #tpu.memory_space<semaphore_mem>>) attributes {dimension_semantics = [#tpu.dimension_semantics<core_parallel>, #tpu.dimension_semantics<subcore_parallel>], iteration_bounds = array<i64: 2, 16>, scalar_prefetch = 0 : i64, scratch_operands = 8 : i64, tpu.core_type = #tpu.core_type<sc_vector_subcore>, window_params = [{transform_indices = #map}, {transform_indices = #map1}, {transform_indices = #map1}, {transform_indices = #map}, {transform_indices = #map}, {transform_indices = #map}, {transform_indices = #map2}, {transform_indices = #map2}]} {
    %mul3A = arith.constant 16 : i32
    %mul3A_0 = arith.muli %arg0, %mul3A : i32
    %add3A = arith.addi %mul3A_0, %arg1 : i32
    "tpu.region"() ({
      %run_scoped3A = tpu.sem_alloc : memref<!tpu.dma_semaphore, #tpu.memory_space<semaphore_mem>>
      %dma_start3A_67 = arith.constant 0 : i32
      %dma_start3A_68 = arith.constant 0 : i32
      %dma_start3A_69 = tpu.memref_slice %arg3[%add3A, %dma_start3A_67, %dma_start3A_68] : memref<32x80x128xi32, #tpu.memory_space<hbm>> -> memref<1x80x128xi32, #tpu.memory_space<hbm>>
      %dma_start3A_70 = tpu.memref_squeeze %dma_start3A_69 : memref<1x80x128xi32, #tpu.memory_space<hbm>> -> memref<80x128xi32, #tpu.memory_space<hbm>>
      %dma_start3A_71 = arith.constant 0 : i32
      %dma_start3A_72 = arith.constant 0 : i32
      %dma_start3A_73 = tpu.memref_slice %arg3[%add3A, %dma_start3A_71, %dma_start3A_72] : memref<32x80x128xi32, #tpu.memory_space<hbm>> -> memref<1x80x128xi32, #tpu.memory_space<hbm>>
      %dma_start3A_74 = tpu.memref_squeeze %dma_start3A_73 : memref<1x80x128xi32, #tpu.memory_space<hbm>> -> memref<80x128xi32, #tpu.memory_space<hbm>>
      tpu.enqueue_dma source(%dma_start3A_74 : memref<80x128xi32, #tpu.memory_space<hbm>>) target(%arg10 : memref<80x128xi32, #tpu.memory_space<vmem>>) target_semaphore(%run_scoped3A : memref<!tpu.dma_semaphore, #tpu.memory_space<semaphore_mem>>)
      %dma_wait3A = arith.constant 0 : i32
      %dma_wait3A_75 = arith.constant 0 : i32
      %dma_wait3A_76 = tpu.memref_slice %arg3[%add3A, %dma_wait3A, %dma_wait3A_75] : memref<32x80x128xi32, #tpu.memory_space<hbm>> -> memref<1x80x128xi32, #tpu.memory_space<hbm>>
      %dma_wait3A_77 = tpu.memref_squeeze %dma_wait3A_76 : memref<1x80x128xi32, #tpu.memory_space<hbm>> -> memref<80x128xi32, #tpu.memory_space<hbm>>
      %dma_wait3A_78 = arith.constant 0 : i32
      %dma_wait3A_79 = arith.constant 0 : i32
      %dma_wait3A_80 = tpu.memref_slice %arg3[%add3A, %dma_wait3A_78, %dma_wait3A_79] : memref<32x80x128xi32, #tpu.memory_space<hbm>> -> memref<1x80x128xi32, #tpu.memory_space<hbm>>
      %dma_wait3A_81 = tpu.memref_squeeze %dma_wait3A_80 : memref<1x80x128xi32, #tpu.memory_space<hbm>> -> memref<80x128xi32, #tpu.memory_space<hbm>>
      tpu.wait_dma2 semaphore(%run_scoped3A : memref<!tpu.dma_semaphore, #tpu.memory_space<semaphore_mem>>) src(%dma_wait3A_81 : memref<80x128xi32, #tpu.memory_space<hbm>>) dst(%arg10 : memref<80x128xi32, #tpu.memory_space<vmem>>)
      tpu.yield
    }) : () -> ()
    "tpu.region"() ({
      %run_scoped3A = tpu.sem_alloc : memref<!tpu.dma_semaphore, #tpu.memory_space<semaphore_mem>>
      %dma_start3A_67 = arith.constant 0 : i32
      %dma_start3A_68 = arith.constant 0 : i32
      %dma_start3A_69 = tpu.memref_slice %arg4[%add3A, %dma_start3A_67, %dma_start3A_68] : memref<32x80x128xi32, #tpu.memory_space<hbm>> -> memref<1x80x128xi32, #tpu.memory_space<hbm>>
      %dma_start3A_70 = tpu.memref_squeeze %dma_start3A_69 : memref<1x80x128xi32, #tpu.memory_space<hbm>> -> memref<80x128xi32, #tpu.memory_space<hbm>>
      %dma_start3A_71 = arith.constant 0 : i32
      %dma_start3A_72 = arith.constant 0 : i32
      %dma_start3A_73 = tpu.memref_slice %arg4[%add3A, %dma_start3A_71, %dma_start3A_72] : memref<32x80x128xi32, #tpu.memory_space<hbm>> -> memref<1x80x128xi32, #tpu.memory_space<hbm>>
      %dma_start3A_74 = tpu.memref_squeeze %dma_start3A_73 : memref<1x80x128xi32, #tpu.memory_space<hbm>> -> memref<80x128xi32, #tpu.memory_space<hbm>>
      tpu.enqueue_dma source(%dma_start3A_74 : memref<80x128xi32, #tpu.memory_space<hbm>>) target(%arg11 : memref<80x128xi32, #tpu.memory_space<vmem>>) target_semaphore(%run_scoped3A : memref<!tpu.dma_semaphore, #tpu.memory_space<semaphore_mem>>)
      %dma_wait3A = arith.constant 0 : i32
      %dma_wait3A_75 = arith.constant 0 : i32
      %dma_wait3A_76 = tpu.memref_slice %arg4[%add3A, %dma_wait3A, %dma_wait3A_75] : memref<32x80x128xi32, #tpu.memory_space<hbm>> -> memref<1x80x128xi32, #tpu.memory_space<hbm>>
      %dma_wait3A_77 = tpu.memref_squeeze %dma_wait3A_76 : memref<1x80x128xi32, #tpu.memory_space<hbm>> -> memref<80x128xi32, #tpu.memory_space<hbm>>
      %dma_wait3A_78 = arith.constant 0 : i32
      %dma_wait3A_79 = arith.constant 0 : i32
      %dma_wait3A_80 = tpu.memref_slice %arg4[%add3A, %dma_wait3A_78, %dma_wait3A_79] : memref<32x80x128xi32, #tpu.memory_space<hbm>> -> memref<1x80x128xi32, #tpu.memory_space<hbm>>
      %dma_wait3A_81 = tpu.memref_squeeze %dma_wait3A_80 : memref<1x80x128xi32, #tpu.memory_space<hbm>> -> memref<80x128xi32, #tpu.memory_space<hbm>>
      tpu.wait_dma2 semaphore(%run_scoped3A : memref<!tpu.dma_semaphore, #tpu.memory_space<semaphore_mem>>) src(%dma_wait3A_81 : memref<80x128xi32, #tpu.memory_space<hbm>>) dst(%arg11 : memref<80x128xi32, #tpu.memory_space<vmem>>)
      tpu.yield
    }) : () -> ()
    %dma_start3A = arith.constant 0 : i32
    %dma_start3A_1 = arith.constant 0 : i32
    %dma_start3A_2 = arith.constant 0 : i32
    %dma_start3A_3 = arith.constant 0 : i32
    %dma_start3A_4 = tpu.memref_slice %arg12[%dma_start3A_1, %dma_start3A_2, %dma_start3A_3] : memref<2x128x64xf32, #tpu.memory_space<vmem>> -> memref<1x128x64xf32, #tpu.memory_space<vmem>>
    %dma_start3A_5 = tpu.memref_squeeze %dma_start3A_4 : memref<1x128x64xf32, #tpu.memory_space<vmem>> -> memref<128x64xf32, #tpu.memory_space<vmem>>
    %dma_start3A_6 = arith.constant 0 : i32
    %dma_start3A_7 = tpu.memref_slice %arg10[%dma_start3A, %dma_start3A_6] : memref<80x128xi32, #tpu.memory_space<vmem>> -> memref<1x128xi32, #tpu.memory_space<vmem>>
    %dma_start3A_8 = tpu.memref_squeeze %dma_start3A_7 : memref<1x128xi32, #tpu.memory_space<vmem>> -> memref<128xi32, #tpu.memory_space<vmem>>
    %dma_start3A_9 = arith.constant 0 : i32
    %dma_start3A_10 = arith.constant 0 : i32
    %dma_start3A_11 = tpu.memref_slice %arg2[%dma_start3A_9, %dma_start3A_10] : memref<20480x64xf32, #tpu.memory_space<hbm>> -> memref<20480x64xf32, #tpu.memory_space<hbm>>
    tpu.enqueue_indirect_dma source(%dma_start3A_11 : memref<20480x64xf32, #tpu.memory_space<hbm>>) target(%dma_start3A_5 : memref<128x64xf32, #tpu.memory_space<vmem>>) offsets(%dma_start3A_8 : memref<128xi32, #tpu.memory_space<vmem>>) semaphore(%arg16 : memref<!tpu.dma_semaphore, #tpu.memory_space<semaphore_mem>>)
    %dma_start3A_12 = arith.constant 1 : i32
    %dma_start3A_13 = arith.constant 1 : i32
    %dma_start3A_14 = arith.constant 0 : i32
    %dma_start3A_15 = arith.constant 0 : i32
    %dma_start3A_16 = tpu.memref_slice %arg12[%dma_start3A_13, %dma_start3A_14, %dma_start3A_15] : memref<2x128x64xf32, #tpu.memory_space<vmem>> -> memref<1x128x64xf32, #tpu.memory_space<vmem>>
    %dma_start3A_17 = tpu.memref_squeeze %dma_start3A_16 : memref<1x128x64xf32, #tpu.memory_space<vmem>> -> memref<128x64xf32, #tpu.memory_space<vmem>>
    %dma_start3A_18 = arith.constant 0 : i32
    %dma_start3A_19 = tpu.memref_slice %arg10[%dma_start3A_12, %dma_start3A_18] : memref<80x128xi32, #tpu.memory_space<vmem>> -> memref<1x128xi32, #tpu.memory_space<vmem>>
    %dma_start3A_20 = tpu.memref_squeeze %dma_start3A_19 : memref<1x128xi32, #tpu.memory_space<vmem>> -> memref<128xi32, #tpu.memory_space<vmem>>
    %dma_start3A_21 = arith.constant 0 : i32
    %dma_start3A_22 = arith.constant 0 : i32
    %dma_start3A_23 = tpu.memref_slice %arg2[%dma_start3A_21, %dma_start3A_22] : memref<20480x64xf32, #tpu.memory_space<hbm>> -> memref<20480x64xf32, #tpu.memory_space<hbm>>
    tpu.enqueue_indirect_dma source(%dma_start3A_23 : memref<20480x64xf32, #tpu.memory_space<hbm>>) target(%dma_start3A_17 : memref<128x64xf32, #tpu.memory_space<vmem>>) offsets(%dma_start3A_20 : memref<128xi32, #tpu.memory_space<vmem>>) semaphore(%arg17 : memref<!tpu.dma_semaphore, #tpu.memory_space<semaphore_mem>>)
    %mul3A_24 = arith.constant 1280 : i32
    %mul3A_25 = arith.muli %arg1, %mul3A_24 : i32
    "tpu.region"() ({
      %run_scoped3A = tpu.sem_alloc : memref<!tpu.dma_semaphore, #tpu.memory_space<semaphore_mem>>
      %dma_start3A_67 = arith.constant 0 : i32
      %dma_start3A_68 = tpu.memref_slice %arg14[%mul3A_25, %dma_start3A_67] : memref<20480x64xf32, #tpu.memory_space<vmem_shared>> -> memref<1280x64xf32, #tpu.memory_space<vmem_shared>>
      tpu.enqueue_dma source(%arg5 : memref<1280x64xf32, #tpu.memory_space<hbm>>) target(%dma_start3A_68 : memref<1280x64xf32, #tpu.memory_space<vmem_shared>>) target_semaphore(%run_scoped3A : memref<!tpu.dma_semaphore, #tpu.memory_space<semaphore_mem>>)
      %dma_wait3A = arith.constant 0 : i32
      %dma_wait3A_69 = tpu.memref_slice %arg14[%mul3A_25, %dma_wait3A] : memref<20480x64xf32, #tpu.memory_space<vmem_shared>> -> memref<1280x64xf32, #tpu.memory_space<vmem_shared>>
      tpu.wait_dma2 semaphore(%run_scoped3A : memref<!tpu.dma_semaphore, #tpu.memory_space<semaphore_mem>>) src(%arg5 : memref<1280x64xf32, #tpu.memory_space<hbm>>) dst(%dma_wait3A_69 : memref<1280x64xf32, #tpu.memory_space<vmem_shared>>)
      tpu.yield
    }) : () -> ()
    %mul3A_26 = arith.constant 1280 : i32
    %mul3A_27 = arith.muli %arg1, %mul3A_26 : i32
    "tpu.region"() ({
      %run_scoped3A = tpu.sem_alloc : memref<!tpu.dma_semaphore, #tpu.memory_space<semaphore_mem>>
      %dma_start3A_67 = arith.constant 0 : i32
      %dma_start3A_68 = tpu.memref_slice %arg15[%mul3A_27, %dma_start3A_67] : memref<20480x8xf32, #tpu.memory_space<vmem_shared>> -> memref<1280x8xf32, #tpu.memory_space<vmem_shared>>
      tpu.enqueue_dma source(%arg6 : memref<1280x8xf32, #tpu.memory_space<hbm>>) target(%dma_start3A_68 : memref<1280x8xf32, #tpu.memory_space<vmem_shared>>) target_semaphore(%run_scoped3A : memref<!tpu.dma_semaphore, #tpu.memory_space<semaphore_mem>>)
      %dma_wait3A = arith.constant 0 : i32
      %dma_wait3A_69 = tpu.memref_slice %arg15[%mul3A_27, %dma_wait3A] : memref<20480x8xf32, #tpu.memory_space<vmem_shared>> -> memref<1280x8xf32, #tpu.memory_space<vmem_shared>>
      tpu.wait_dma2 semaphore(%run_scoped3A : memref<!tpu.dma_semaphore, #tpu.memory_space<semaphore_mem>>) src(%arg6 : memref<1280x8xf32, #tpu.memory_space<hbm>>) dst(%dma_wait3A_69 : memref<1280x8xf32, #tpu.memory_space<vmem_shared>>)
      tpu.yield
    }) : () -> ()
    "tpu.region"() ({
      %run_scoped3A = tpu.sem_alloc : memref<!tpu.dma_semaphore, #tpu.memory_space<semaphore_mem>>
      tpu.enqueue_dma source(%arg7 : memref<128x8xf32, #tpu.memory_space<hbm>>) target(%arg13 : memref<128x8xf32, #tpu.memory_space<vmem>>) target_semaphore(%run_scoped3A : memref<!tpu.dma_semaphore, #tpu.memory_space<semaphore_mem>>)
      tpu.wait_dma2 semaphore(%run_scoped3A : memref<!tpu.dma_semaphore, #tpu.memory_space<semaphore_mem>>) src(%arg7 : memref<128x8xf32, #tpu.memory_space<hbm>>) dst(%arg13 : memref<128x8xf32, #tpu.memory_space<vmem>>)
      tpu.yield
    }) : () -> ()
    %barrier3A = arith.constant 0 : index
    tpu.barrier barrier_id(%barrier3A)
    %scan3A = arith.constant 0 : i32
    %scan3A_28 = arith.constant 40 : i32
    %scan3A_29 = arith.addi %scan3A, %scan3A_28 : i32
    %scan3A_30 = arith.constant 1 : i32
    scf.for %scan3A_67 = %scan3A to %scan3A_29 step %scan3A_30  : i32 {
      %mul3A_68 = arith.constant 2 : i32
      %mul3A_69 = arith.muli %scan3A_67, %mul3A_68 : i32
      %add3A_70 = arith.constant 0 : i32
      %add3A_71 = arith.addi %add3A_70, %mul3A_69 : i32
      %add3A_72 = arith.constant 0 : i32
      %add3A_73 = arith.addi %add3A_71, %add3A_72 : i32
      %dma_wait3A = arith.constant 0 : i32
      %dma_wait3A_74 = arith.constant 0 : i32
      %dma_wait3A_75 = arith.constant 0 : i32
      %dma_wait3A_76 = tpu.memref_slice %arg12[%dma_wait3A, %dma_wait3A_74, %dma_wait3A_75] : memref<2x128x64xf32, #tpu.memory_space<vmem>> -> memref<1x128x64xf32, #tpu.memory_space<vmem>>
      %dma_wait3A_77 = tpu.memref_squeeze %dma_wait3A_76 : memref<1x128x64xf32, #tpu.memory_space<vmem>> -> memref<128x64xf32, #tpu.memory_space<vmem>>
      %dma_wait3A_78 = arith.constant 0 : i32
      %dma_wait3A_79 = tpu.memref_slice %arg10[%add3A_73, %dma_wait3A_78] : memref<80x128xi32, #tpu.memory_space<vmem>> -> memref<1x128xi32, #tpu.memory_space<vmem>>
      %dma_wait3A_80 = tpu.memref_squeeze %dma_wait3A_79 : memref<1x128xi32, #tpu.memory_space<vmem>> -> memref<128xi32, #tpu.memory_space<vmem>>
      %dma_wait3A_81 = arith.constant 0 : i32
      %dma_wait3A_82 = arith.constant 0 : i32
      %dma_wait3A_83 = tpu.memref_slice %arg2[%dma_wait3A_81, %dma_wait3A_82] : memref<20480x64xf32, #tpu.memory_space<hbm>> -> memref<20480x64xf32, #tpu.memory_space<hbm>>
      tpu.wait_indirect_dma semaphore(%arg16 : memref<!tpu.dma_semaphore, #tpu.memory_space<semaphore_mem>>) src(%dma_wait3A_83 : memref<20480x64xf32, #tpu.memory_space<hbm>>) dst(%dma_wait3A_77 : memref<128x64xf32, #tpu.memory_space<vmem>>)
      %run_scoped3A = arith.constant 0 : i32
      "tpu.region"() ({
        %run_scoped3A_110 = tpu.sem_alloc : memref<!tpu.dma_semaphore, #tpu.memory_space<semaphore_mem>>
        %dma_start3A_111 = arith.constant 0 : i32
        %dma_start3A_112 = arith.constant 0 : i32
        %dma_start3A_113 = tpu.memref_slice %arg12[%run_scoped3A, %dma_start3A_111, %dma_start3A_112] : memref<2x128x64xf32, #tpu.memory_space<vmem>> -> memref<1x128x64xf32, #tpu.memory_space<vmem>>
        %dma_start3A_114 = tpu.memref_squeeze %dma_start3A_113 : memref<1x128x64xf32, #tpu.memory_space<vmem>> -> memref<128x64xf32, #tpu.memory_space<vmem>>
        %dma_start3A_115 = arith.constant 0 : i32
        %dma_start3A_116 = tpu.memref_slice %arg11[%add3A_73, %dma_start3A_115] : memref<80x128xi32, #tpu.memory_space<vmem>> -> memref<1x128xi32, #tpu.memory_space<vmem>>
        %dma_start3A_117 = tpu.memref_squeeze %dma_start3A_116 : memref<1x128xi32, #tpu.memory_space<vmem>> -> memref<128xi32, #tpu.memory_space<vmem>>
        %dma_start3A_118 = arith.constant 0 : i32
        %dma_start3A_119 = arith.constant 0 : i32
        %dma_start3A_120 = tpu.memref_slice %arg14[%dma_start3A_118, %dma_start3A_119] : memref<20480x64xf32, #tpu.memory_space<vmem_shared>> -> memref<20480x64xf32, #tpu.memory_space<vmem_shared>>
        tpu.enqueue_indirect_dma source(%dma_start3A_114 : memref<128x64xf32, #tpu.memory_space<vmem>>) target(%dma_start3A_120 : memref<20480x64xf32, #tpu.memory_space<vmem_shared>>) offsets(%dma_start3A_117 : memref<128xi32, #tpu.memory_space<vmem>>) semaphore(%run_scoped3A_110 : memref<!tpu.dma_semaphore, #tpu.memory_space<semaphore_mem>>) {add = true}
        %dma_wait3A_121 = arith.constant 0 : i32
        %dma_wait3A_122 = arith.constant 0 : i32
        %dma_wait3A_123 = tpu.memref_slice %arg12[%run_scoped3A, %dma_wait3A_121, %dma_wait3A_122] : memref<2x128x64xf32, #tpu.memory_space<vmem>> -> memref<1x128x64xf32, #tpu.memory_space<vmem>>
        %dma_wait3A_124 = tpu.memref_squeeze %dma_wait3A_123 : memref<1x128x64xf32, #tpu.memory_space<vmem>> -> memref<128x64xf32, #tpu.memory_space<vmem>>
        %dma_wait3A_125 = arith.constant 0 : i32
        %dma_wait3A_126 = tpu.memref_slice %arg11[%add3A_73, %dma_wait3A_125] : memref<80x128xi32, #tpu.memory_space<vmem>> -> memref<1x128xi32, #tpu.memory_space<vmem>>
        %dma_wait3A_127 = tpu.memref_squeeze %dma_wait3A_126 : memref<1x128xi32, #tpu.memory_space<vmem>> -> memref<128xi32, #tpu.memory_space<vmem>>
        %dma_wait3A_128 = arith.constant 0 : i32
        %dma_wait3A_129 = arith.constant 0 : i32
        %dma_wait3A_130 = tpu.memref_slice %arg14[%dma_wait3A_128, %dma_wait3A_129] : memref<20480x64xf32, #tpu.memory_space<vmem_shared>> -> memref<20480x64xf32, #tpu.memory_space<vmem_shared>>
        tpu.wait_indirect_dma semaphore(%run_scoped3A_110 : memref<!tpu.dma_semaphore, #tpu.memory_space<semaphore_mem>>) src(%dma_wait3A_124 : memref<128x64xf32, #tpu.memory_space<vmem>>) dst(%dma_wait3A_130 : memref<20480x64xf32, #tpu.memory_space<vmem_shared>>)
        tpu.yield
      }) : () -> ()
      "tpu.region"() ({
        %run_scoped3A_110 = tpu.sem_alloc : memref<!tpu.dma_semaphore, #tpu.memory_space<semaphore_mem>>
        %dma_start3A_111 = arith.constant 0 : i32
        %dma_start3A_112 = tpu.memref_slice %arg11[%add3A_73, %dma_start3A_111] : memref<80x128xi32, #tpu.memory_space<vmem>> -> memref<1x128xi32, #tpu.memory_space<vmem>>
        %dma_start3A_113 = tpu.memref_squeeze %dma_start3A_112 : memref<1x128xi32, #tpu.memory_space<vmem>> -> memref<128xi32, #tpu.memory_space<vmem>>
        %dma_start3A_114 = arith.constant 0 : i32
        %dma_start3A_115 = arith.constant 0 : i32
        %dma_start3A_116 = tpu.memref_slice %arg15[%dma_start3A_114, %dma_start3A_115] : memref<20480x8xf32, #tpu.memory_space<vmem_shared>> -> memref<20480x8xf32, #tpu.memory_space<vmem_shared>>
        tpu.enqueue_indirect_dma source(%arg13 : memref<128x8xf32, #tpu.memory_space<vmem>>) target(%dma_start3A_116 : memref<20480x8xf32, #tpu.memory_space<vmem_shared>>) offsets(%dma_start3A_113 : memref<128xi32, #tpu.memory_space<vmem>>) semaphore(%run_scoped3A_110 : memref<!tpu.dma_semaphore, #tpu.memory_space<semaphore_mem>>) {add = true}
        %dma_wait3A_117 = arith.constant 0 : i32
        %dma_wait3A_118 = tpu.memref_slice %arg11[%add3A_73, %dma_wait3A_117] : memref<80x128xi32, #tpu.memory_space<vmem>> -> memref<1x128xi32, #tpu.memory_space<vmem>>
        %dma_wait3A_119 = tpu.memref_squeeze %dma_wait3A_118 : memref<1x128xi32, #tpu.memory_space<vmem>> -> memref<128xi32, #tpu.memory_space<vmem>>
        %dma_wait3A_120 = arith.constant 0 : i32
        %dma_wait3A_121 = arith.constant 0 : i32
        %dma_wait3A_122 = tpu.memref_slice %arg15[%dma_wait3A_120, %dma_wait3A_121] : memref<20480x8xf32, #tpu.memory_space<vmem_shared>> -> memref<20480x8xf32, #tpu.memory_space<vmem_shared>>
        tpu.wait_indirect_dma semaphore(%run_scoped3A_110 : memref<!tpu.dma_semaphore, #tpu.memory_space<semaphore_mem>>) src(%arg13 : memref<128x8xf32, #tpu.memory_space<vmem>>) dst(%dma_wait3A_122 : memref<20480x8xf32, #tpu.memory_space<vmem_shared>>)
        tpu.yield
      }) : () -> ()
      %add3A_84 = arith.constant 2 : i32
      %add3A_85 = arith.addi %add3A_73, %add3A_84 : i32
      %lt3A_86 = arith.constant 80 : i32
      %lt3A_87 = arith.cmpi slt, %add3A_85, %lt3A_86 : i32
      %convert_element_type3A = arith.extui %lt3A_87 : i1 to i32
      %cond3A = arith.constant 0 : i32
      %cond3A_88 = arith.cmpi ne, %convert_element_type3A, %cond3A : i32
      scf.if %cond3A_88 {
        %add3A_110 = arith.constant 2 : i32
        %add3A_111 = arith.addi %add3A_73, %add3A_110 : i32
        %dma_start3A_112 = arith.constant 0 : i32
        %dma_start3A_113 = arith.constant 0 : i32
        %dma_start3A_114 = arith.constant 0 : i32
        %dma_start3A_115 = tpu.memref_slice %arg12[%dma_start3A_112, %dma_start3A_113, %dma_start3A_114] : memref<2x128x64xf32, #tpu.memory_space<vmem>> -> memref<1x128x64xf32, #tpu.memory_space<vmem>>
        %dma_start3A_116 = tpu.memref_squeeze %dma_start3A_115 : memref<1x128x64xf32, #tpu.memory_space<vmem>> -> memref<128x64xf32, #tpu.memory_space<vmem>>
        %dma_start3A_117 = arith.constant 0 : i32
        %dma_start3A_118 = tpu.memref_slice %arg10[%add3A_111, %dma_start3A_117] : memref<80x128xi32, #tpu.memory_space<vmem>> -> memref<1x128xi32, #tpu.memory_space<vmem>>
        %dma_start3A_119 = tpu.memref_squeeze %dma_start3A_118 : memref<1x128xi32, #tpu.memory_space<vmem>> -> memref<128xi32, #tpu.memory_space<vmem>>
        %dma_start3A_120 = arith.constant 0 : i32
        %dma_start3A_121 = arith.constant 0 : i32
        %dma_start3A_122 = tpu.memref_slice %arg2[%dma_start3A_120, %dma_start3A_121] : memref<20480x64xf32, #tpu.memory_space<hbm>> -> memref<20480x64xf32, #tpu.memory_space<hbm>>
        tpu.enqueue_indirect_dma source(%dma_start3A_122 : memref<20480x64xf32, #tpu.memory_space<hbm>>) target(%dma_start3A_116 : memref<128x64xf32, #tpu.memory_space<vmem>>) offsets(%dma_start3A_119 : memref<128xi32, #tpu.memory_space<vmem>>) semaphore(%arg16 : memref<!tpu.dma_semaphore, #tpu.memory_space<semaphore_mem>>)
      } else {
      }
      %add3A_89 = arith.constant 1 : i32
      %add3A_90 = arith.addi %add3A_71, %add3A_89 : i32
      %dma_wait3A_91 = arith.constant 1 : i32
      %dma_wait3A_92 = arith.constant 0 : i32
      %dma_wait3A_93 = arith.constant 0 : i32
      %dma_wait3A_94 = tpu.memref_slice %arg12[%dma_wait3A_91, %dma_wait3A_92, %dma_wait3A_93] : memref<2x128x64xf32, #tpu.memory_space<vmem>> -> memref<1x128x64xf32, #tpu.memory_space<vmem>>
      %dma_wait3A_95 = tpu.memref_squeeze %dma_wait3A_94 : memref<1x128x64xf32, #tpu.memory_space<vmem>> -> memref<128x64xf32, #tpu.memory_space<vmem>>
      %dma_wait3A_96 = arith.constant 0 : i32
      %dma_wait3A_97 = tpu.memref_slice %arg10[%add3A_90, %dma_wait3A_96] : memref<80x128xi32, #tpu.memory_space<vmem>> -> memref<1x128xi32, #tpu.memory_space<vmem>>
      %dma_wait3A_98 = tpu.memref_squeeze %dma_wait3A_97 : memref<1x128xi32, #tpu.memory_space<vmem>> -> memref<128xi32, #tpu.memory_space<vmem>>
      %dma_wait3A_99 = arith.constant 0 : i32
      %dma_wait3A_100 = arith.constant 0 : i32
      %dma_wait3A_101 = tpu.memref_slice %arg2[%dma_wait3A_99, %dma_wait3A_100] : memref<20480x64xf32, #tpu.memory_space<hbm>> -> memref<20480x64xf32, #tpu.memory_space<hbm>>
      tpu.wait_indirect_dma semaphore(%arg17 : memref<!tpu.dma_semaphore, #tpu.memory_space<semaphore_mem>>) src(%dma_wait3A_101 : memref<20480x64xf32, #tpu.memory_space<hbm>>) dst(%dma_wait3A_95 : memref<128x64xf32, #tpu.memory_space<vmem>>)
      %run_scoped3A_102 = arith.constant 1 : i32
      "tpu.region"() ({
        %run_scoped3A_110 = tpu.sem_alloc : memref<!tpu.dma_semaphore, #tpu.memory_space<semaphore_mem>>
        %dma_start3A_111 = arith.constant 0 : i32
        %dma_start3A_112 = arith.constant 0 : i32
        %dma_start3A_113 = tpu.memref_slice %arg12[%run_scoped3A_102, %dma_start3A_111, %dma_start3A_112] : memref<2x128x64xf32, #tpu.memory_space<vmem>> -> memref<1x128x64xf32, #tpu.memory_space<vmem>>
        %dma_start3A_114 = tpu.memref_squeeze %dma_start3A_113 : memref<1x128x64xf32, #tpu.memory_space<vmem>> -> memref<128x64xf32, #tpu.memory_space<vmem>>
        %dma_start3A_115 = arith.constant 0 : i32
        %dma_start3A_116 = tpu.memref_slice %arg11[%add3A_90, %dma_start3A_115] : memref<80x128xi32, #tpu.memory_space<vmem>> -> memref<1x128xi32, #tpu.memory_space<vmem>>
        %dma_start3A_117 = tpu.memref_squeeze %dma_start3A_116 : memref<1x128xi32, #tpu.memory_space<vmem>> -> memref<128xi32, #tpu.memory_space<vmem>>
        %dma_start3A_118 = arith.constant 0 : i32
        %dma_start3A_119 = arith.constant 0 : i32
        %dma_start3A_120 = tpu.memref_slice %arg14[%dma_start3A_118, %dma_start3A_119] : memref<20480x64xf32, #tpu.memory_space<vmem_shared>> -> memref<20480x64xf32, #tpu.memory_space<vmem_shared>>
        tpu.enqueue_indirect_dma source(%dma_start3A_114 : memref<128x64xf32, #tpu.memory_space<vmem>>) target(%dma_start3A_120 : memref<20480x64xf32, #tpu.memory_space<vmem_shared>>) offsets(%dma_start3A_117 : memref<128xi32, #tpu.memory_space<vmem>>) semaphore(%run_scoped3A_110 : memref<!tpu.dma_semaphore, #tpu.memory_space<semaphore_mem>>) {add = true}
        %dma_wait3A_121 = arith.constant 0 : i32
        %dma_wait3A_122 = arith.constant 0 : i32
        %dma_wait3A_123 = tpu.memref_slice %arg12[%run_scoped3A_102, %dma_wait3A_121, %dma_wait3A_122] : memref<2x128x64xf32, #tpu.memory_space<vmem>> -> memref<1x128x64xf32, #tpu.memory_space<vmem>>
        %dma_wait3A_124 = tpu.memref_squeeze %dma_wait3A_123 : memref<1x128x64xf32, #tpu.memory_space<vmem>> -> memref<128x64xf32, #tpu.memory_space<vmem>>
        %dma_wait3A_125 = arith.constant 0 : i32
        %dma_wait3A_126 = tpu.memref_slice %arg11[%add3A_90, %dma_wait3A_125] : memref<80x128xi32, #tpu.memory_space<vmem>> -> memref<1x128xi32, #tpu.memory_space<vmem>>
        %dma_wait3A_127 = tpu.memref_squeeze %dma_wait3A_126 : memref<1x128xi32, #tpu.memory_space<vmem>> -> memref<128xi32, #tpu.memory_space<vmem>>
        %dma_wait3A_128 = arith.constant 0 : i32
        %dma_wait3A_129 = arith.constant 0 : i32
        %dma_wait3A_130 = tpu.memref_slice %arg14[%dma_wait3A_128, %dma_wait3A_129] : memref<20480x64xf32, #tpu.memory_space<vmem_shared>> -> memref<20480x64xf32, #tpu.memory_space<vmem_shared>>
        tpu.wait_indirect_dma semaphore(%run_scoped3A_110 : memref<!tpu.dma_semaphore, #tpu.memory_space<semaphore_mem>>) src(%dma_wait3A_124 : memref<128x64xf32, #tpu.memory_space<vmem>>) dst(%dma_wait3A_130 : memref<20480x64xf32, #tpu.memory_space<vmem_shared>>)
        tpu.yield
      }) : () -> ()
      "tpu.region"() ({
        %run_scoped3A_110 = tpu.sem_alloc : memref<!tpu.dma_semaphore, #tpu.memory_space<semaphore_mem>>
        %dma_start3A_111 = arith.constant 0 : i32
        %dma_start3A_112 = tpu.memref_slice %arg11[%add3A_90, %dma_start3A_111] : memref<80x128xi32, #tpu.memory_space<vmem>> -> memref<1x128xi32, #tpu.memory_space<vmem>>
        %dma_start3A_113 = tpu.memref_squeeze %dma_start3A_112 : memref<1x128xi32, #tpu.memory_space<vmem>> -> memref<128xi32, #tpu.memory_space<vmem>>
        %dma_start3A_114 = arith.constant 0 : i32
        %dma_start3A_115 = arith.constant 0 : i32
        %dma_start3A_116 = tpu.memref_slice %arg15[%dma_start3A_114, %dma_start3A_115] : memref<20480x8xf32, #tpu.memory_space<vmem_shared>> -> memref<20480x8xf32, #tpu.memory_space<vmem_shared>>
        tpu.enqueue_indirect_dma source(%arg13 : memref<128x8xf32, #tpu.memory_space<vmem>>) target(%dma_start3A_116 : memref<20480x8xf32, #tpu.memory_space<vmem_shared>>) offsets(%dma_start3A_113 : memref<128xi32, #tpu.memory_space<vmem>>) semaphore(%run_scoped3A_110 : memref<!tpu.dma_semaphore, #tpu.memory_space<semaphore_mem>>) {add = true}
        %dma_wait3A_117 = arith.constant 0 : i32
        %dma_wait3A_118 = tpu.memref_slice %arg11[%add3A_90, %dma_wait3A_117] : memref<80x128xi32, #tpu.memory_space<vmem>> -> memref<1x128xi32, #tpu.memory_space<vmem>>
        %dma_wait3A_119 = tpu.memref_squeeze %dma_wait3A_118 : memref<1x128xi32, #tpu.memory_space<vmem>> -> memref<128xi32, #tpu.memory_space<vmem>>
        %dma_wait3A_120 = arith.constant 0 : i32
        %dma_wait3A_121 = arith.constant 0 : i32
        %dma_wait3A_122 = tpu.memref_slice %arg15[%dma_wait3A_120, %dma_wait3A_121] : memref<20480x8xf32, #tpu.memory_space<vmem_shared>> -> memref<20480x8xf32, #tpu.memory_space<vmem_shared>>
        tpu.wait_indirect_dma semaphore(%run_scoped3A_110 : memref<!tpu.dma_semaphore, #tpu.memory_space<semaphore_mem>>) src(%arg13 : memref<128x8xf32, #tpu.memory_space<vmem>>) dst(%dma_wait3A_122 : memref<20480x8xf32, #tpu.memory_space<vmem_shared>>)
        tpu.yield
      }) : () -> ()
      %add3A_103 = arith.constant 2 : i32
      %add3A_104 = arith.addi %add3A_90, %add3A_103 : i32
      %lt3A_105 = arith.constant 80 : i32
      %lt3A_106 = arith.cmpi slt, %add3A_104, %lt3A_105 : i32
      %convert_element_type3A_107 = arith.extui %lt3A_106 : i1 to i32
      %cond3A_108 = arith.constant 0 : i32
      %cond3A_109 = arith.cmpi ne, %convert_element_type3A_107, %cond3A_108 : i32
      scf.if %cond3A_109 {
        %add3A_110 = arith.constant 2 : i32
        %add3A_111 = arith.addi %add3A_90, %add3A_110 : i32
        %dma_start3A_112 = arith.constant 1 : i32
        %dma_start3A_113 = arith.constant 0 : i32
        %dma_start3A_114 = arith.constant 0 : i32
        %dma_start3A_115 = tpu.memref_slice %arg12[%dma_start3A_112, %dma_start3A_113, %dma_start3A_114] : memref<2x128x64xf32, #tpu.memory_space<vmem>> -> memref<1x128x64xf32, #tpu.memory_space<vmem>>
        %dma_start3A_116 = tpu.memref_squeeze %dma_start3A_115 : memref<1x128x64xf32, #tpu.memory_space<vmem>> -> memref<128x64xf32, #tpu.memory_space<vmem>>
        %dma_start3A_117 = arith.constant 0 : i32
        %dma_start3A_118 = tpu.memref_slice %arg10[%add3A_111, %dma_start3A_117] : memref<80x128xi32, #tpu.memory_space<vmem>> -> memref<1x128xi32, #tpu.memory_space<vmem>>
        %dma_start3A_119 = tpu.memref_squeeze %dma_start3A_118 : memref<1x128xi32, #tpu.memory_space<vmem>> -> memref<128xi32, #tpu.memory_space<vmem>>
        %dma_start3A_120 = arith.constant 0 : i32
        %dma_start3A_121 = arith.constant 0 : i32
        %dma_start3A_122 = tpu.memref_slice %arg2[%dma_start3A_120, %dma_start3A_121] : memref<20480x64xf32, #tpu.memory_space<hbm>> -> memref<20480x64xf32, #tpu.memory_space<hbm>>
        tpu.enqueue_indirect_dma source(%dma_start3A_122 : memref<20480x64xf32, #tpu.memory_space<hbm>>) target(%dma_start3A_116 : memref<128x64xf32, #tpu.memory_space<vmem>>) offsets(%dma_start3A_119 : memref<128xi32, #tpu.memory_space<vmem>>) semaphore(%arg17 : memref<!tpu.dma_semaphore, #tpu.memory_space<semaphore_mem>>)
      } else {
      }
    }
    %scan3A_31 = arith.constant 40 : i32
    %barrier3A_32 = arith.constant 0 : index
    tpu.barrier barrier_id(%barrier3A_32)
    %jit3A = arith.constant 8 : i32
    %div3A = arith.divsi %arg1, %jit3A : i32
    %sign3A = arith.constant 0 : i32
    %sign3A_33 = arith.cmpi sgt, %arg1, %sign3A : i32
    %sign3A_34 = arith.extui %sign3A_33 : i1 to i32
    %sign3A_35 = arith.constant 0 : i32
    %sign3A_36 = arith.cmpi slt, %arg1, %sign3A_35 : i32
    %sign3A_37 = arith.extui %sign3A_36 : i1 to i32
    %sign3A_38 = arith.subi %sign3A_34, %sign3A_37 : i32
    %sign3A_39 = arith.constant 0 : i32
    %sign3A_40 = arith.cmpi sgt, %jit3A, %sign3A_39 : i32
    %sign3A_41 = arith.extui %sign3A_40 : i1 to i32
    %sign3A_42 = arith.constant 0 : i32
    %sign3A_43 = arith.cmpi slt, %jit3A, %sign3A_42 : i32
    %sign3A_44 = arith.extui %sign3A_43 : i1 to i32
    %sign3A_45 = arith.subi %sign3A_41, %sign3A_44 : i32
    %ne3A = arith.cmpi ne, %sign3A_38, %sign3A_45 : i32
    %rem3A = arith.remsi %arg1, %jit3A : i32
    %ne3A_46 = arith.constant 0 : i32
    %ne3A_47 = arith.cmpi ne, %rem3A, %ne3A_46 : i32
    %and3A = arith.andi %ne3A, %ne3A_47 : i1
    %sub3A = arith.constant 1 : i32
    %sub3A_48 = arith.subi %div3A, %sub3A : i32
    %select_n3A = arith.select %and3A, %sub3A_48, %div3A : i32
    %jit3A_49 = arith.constant 8 : i32
    %eq3A = arith.constant 0 : i32
    %eq3A_50 = arith.cmpi eq, %jit3A_49, %eq3A : i32
    %jit3A_51 = arith.constant 1 : i32
    %select_n3A_52 = arith.select %eq3A_50, %jit3A_51, %jit3A_49 : i32
    %rem3A_53 = arith.remsi %arg1, %select_n3A_52 : i32
    %ne3A_54 = arith.constant 0 : i32
    %ne3A_55 = arith.cmpi ne, %rem3A_53, %ne3A_54 : i32
    %lt3A = arith.constant 0 : i32
    %lt3A_56 = arith.cmpi slt, %rem3A_53, %lt3A : i32
    %lt3A_57 = arith.constant 0 : i32
    %lt3A_58 = arith.cmpi slt, %select_n3A_52, %lt3A_57 : i32
    %ne3A_59 = arith.xori %lt3A_56, %lt3A_58 : i1
    %and3A_60 = arith.andi %ne3A_59, %ne3A_55 : i1
    %add3A_61 = arith.addi %rem3A_53, %select_n3A_52 : i32
    %select_n3A_62 = arith.select %and3A_60, %add3A_61, %rem3A_53 : i32
    %mul3A_63 = arith.constant 1280 : i32
    %mul3A_64 = arith.muli %select_n3A_62, %mul3A_63 : i32
    %mul3A_65 = arith.constant 1280 : i32
    %mul3A_66 = arith.muli %arg1, %mul3A_65 : i32
    "tpu.region"() ({
      %run_scoped3A = tpu.sem_alloc : memref<!tpu.dma_semaphore, #tpu.memory_space<semaphore_mem>>
      %dma_start3A_67 = arith.constant 0 : i32
      %dma_start3A_68 = tpu.memref_slice %arg8[%arg0, %select_n3A, %mul3A_64, %dma_start3A_67] : memref<2x2x10240x64xf32, #tpu.memory_space<hbm>> -> memref<1x1x1280x64xf32, #tpu.memory_space<hbm>>
      %dma_start3A_69 = tpu.memref_squeeze %dma_start3A_68 : memref<1x1x1280x64xf32, #tpu.memory_space<hbm>> -> memref<1280x64xf32, #tpu.memory_space<hbm>>
      %dma_start3A_70 = arith.constant 0 : i32
      %dma_start3A_71 = tpu.memref_slice %arg14[%mul3A_66, %dma_start3A_70] : memref<20480x64xf32, #tpu.memory_space<vmem_shared>> -> memref<1280x64xf32, #tpu.memory_space<vmem_shared>>
      tpu.enqueue_dma source(%dma_start3A_71 : memref<1280x64xf32, #tpu.memory_space<vmem_shared>>) target(%dma_start3A_69 : memref<1280x64xf32, #tpu.memory_space<hbm>>) target_semaphore(%run_scoped3A : memref<!tpu.dma_semaphore, #tpu.memory_space<semaphore_mem>>)
      %dma_wait3A = arith.constant 0 : i32
      %dma_wait3A_72 = tpu.memref_slice %arg8[%arg0, %select_n3A, %mul3A_64, %dma_wait3A] : memref<2x2x10240x64xf32, #tpu.memory_space<hbm>> -> memref<1x1x1280x64xf32, #tpu.memory_space<hbm>>
      %dma_wait3A_73 = tpu.memref_squeeze %dma_wait3A_72 : memref<1x1x1280x64xf32, #tpu.memory_space<hbm>> -> memref<1280x64xf32, #tpu.memory_space<hbm>>
      %dma_wait3A_74 = arith.constant 0 : i32
      %dma_wait3A_75 = tpu.memref_slice %arg14[%mul3A_66, %dma_wait3A_74] : memref<20480x64xf32, #tpu.memory_space<vmem_shared>> -> memref<1280x64xf32, #tpu.memory_space<vmem_shared>>
      tpu.wait_dma2 semaphore(%run_scoped3A : memref<!tpu.dma_semaphore, #tpu.memory_space<semaphore_mem>>) src(%dma_wait3A_75 : memref<1280x64xf32, #tpu.memory_space<vmem_shared>>) dst(%dma_wait3A_73 : memref<1280x64xf32, #tpu.memory_space<hbm>>)
      tpu.yield
    }) : () -> ()
    "tpu.region"() ({
      %run_scoped3A = tpu.sem_alloc : memref<!tpu.dma_semaphore, #tpu.memory_space<semaphore_mem>>
      %dma_start3A_67 = arith.constant 0 : i32
      %dma_start3A_68 = tpu.memref_slice %arg9[%arg0, %select_n3A, %mul3A_64, %dma_start3A_67] : memref<2x2x10240x8xf32, #tpu.memory_space<hbm>> -> memref<1x1x1280x8xf32, #tpu.memory_space<hbm>>
      %dma_start3A_69 = tpu.memref_squeeze %dma_start3A_68 : memref<1x1x1280x8xf32, #tpu.memory_space<hbm>> -> memref<1280x8xf32, #tpu.memory_space<hbm>>
      %dma_start3A_70 = arith.constant 0 : i32
      %dma_start3A_71 = tpu.memref_slice %arg15[%mul3A_66, %dma_start3A_70] : memref<20480x8xf32, #tpu.memory_space<vmem_shared>> -> memref<1280x8xf32, #tpu.memory_space<vmem_shared>>
      tpu.enqueue_dma source(%dma_start3A_71 : memref<1280x8xf32, #tpu.memory_space<vmem_shared>>) target(%dma_start3A_69 : memref<1280x8xf32, #tpu.memory_space<hbm>>) target_semaphore(%run_scoped3A : memref<!tpu.dma_semaphore, #tpu.memory_space<semaphore_mem>>)
      %dma_wait3A = arith.constant 0 : i32
      %dma_wait3A_72 = tpu.memref_slice %arg9[%arg0, %select_n3A, %mul3A_64, %dma_wait3A] : memref<2x2x10240x8xf32, #tpu.memory_space<hbm>> -> memref<1x1x1280x8xf32, #tpu.memory_space<hbm>>
      %dma_wait3A_73 = tpu.memref_squeeze %dma_wait3A_72 : memref<1x1x1280x8xf32, #tpu.memory_space<hbm>> -> memref<1280x8xf32, #tpu.memory_space<hbm>>
      %dma_wait3A_74 = arith.constant 0 : i32
      %dma_wait3A_75 = tpu.memref_slice %arg15[%mul3A_66, %dma_wait3A_74] : memref<20480x8xf32, #tpu.memory_space<vmem_shared>> -> memref<1280x8xf32, #tpu.memory_space<vmem_shared>>
      tpu.wait_dma2 semaphore(%run_scoped3A : memref<!tpu.dma_semaphore, #tpu.memory_space<semaphore_mem>>) src(%dma_wait3A_75 : memref<1280x8xf32, #tpu.memory_space<vmem_shared>>) dst(%dma_wait3A_73 : memref<1280x8xf32, #tpu.memory_space<hbm>>)
      tpu.yield
    }) : () -> ()
    return
  }
}

module attributes {stable_mosaic.version = 14 : i64} {
  func.func @_edge_body(%arg0: memref<2x320000xi32, #tpu.memory_space<vmem>>, %arg1: memref<320000xi32, #tpu.memory_space<vmem>>, %arg2: memref<32x80x128xi32, #tpu.memory_space<vmem>>, %arg3: memref<32x80x128xi32, #tpu.memory_space<vmem>>) attributes {dimension_semantics = [], scalar_prefetch = 0 : i64, scratch_operands = 0 : i64, tpu.core_type = #tpu.core_type<tc>} {
    %iota3A = tpu.iota {dimensions = array<i32: 1>} : vector<60x128xi32>
    %iota3A_0 = tpu.iota {dimensions = array<i32: 0>} : vector<60x128xi32>
    %mul3A = arith.constant 128 : i32
    %mul3A_1 = vector.broadcast %mul3A : i32 to vector<60x128xi32>
    %mul3A_2 = arith.muli %iota3A_0, %mul3A_1 : vector<60x128xi32>
    %add3A = arith.addi %mul3A_2, %iota3A : vector<60x128xi32>
    %jit3A = arith.constant 240 : i32
    %eq3A = arith.constant 0 : i32
    %eq3A_3 = arith.cmpi eq, %jit3A, %eq3A : i32
    %jit3A_4 = arith.constant 1 : i32
    %select_n3A = arith.select %eq3A_3, %jit3A_4, %jit3A : i32
    %rem3A = vector.broadcast %select_n3A : i32 to vector<60x128xi32>
    %rem3A_5 = arith.remsi %add3A, %rem3A : vector<60x128xi32>
    %ne3A = arith.constant 0 : i32
    %ne3A_6 = vector.broadcast %ne3A : i32 to vector<60x128xi32>
    %ne3A_7 = arith.cmpi ne, %rem3A_5, %ne3A_6 : vector<60x128xi32>
    %lt3A = arith.constant 0 : i32
    %lt3A_8 = vector.broadcast %lt3A : i32 to vector<60x128xi32>
    %lt3A_9 = arith.cmpi slt, %rem3A_5, %lt3A_8 : vector<60x128xi32>
    %lt3A_10 = arith.constant 0 : i32
    %lt3A_11 = arith.cmpi slt, %select_n3A, %lt3A_10 : i32
    %ne3A_12 = vector.broadcast %lt3A_11 : i1 to vector<60x128xi1>
    %ne3A_13 = vector.broadcast %ne3A_12 : vector<60x128xi1> to vector<60x128xi1>
    %ne3A_14 = arith.xori %lt3A_9, %ne3A_13 : vector<60x128xi1>
    %and3A = arith.andi %ne3A_14, %ne3A_7 : vector<60x128xi1>
    %add3A_15 = vector.broadcast %select_n3A : i32 to vector<60x128xi32>
    %add3A_16 = arith.addi %rem3A_5, %add3A_15 : vector<60x128xi32>
    %select_n3A_17 = arith.select %and3A, %add3A_16, %rem3A_5 : vector<60x128xi1>, vector<60x128xi32>
    %add3A_18 = arith.constant 10000 : i32
    %add3A_19 = vector.broadcast %add3A_18 : i32 to vector<60x128xi32>
    %add3A_20 = arith.addi %add3A_19, %select_n3A_17 : vector<60x128xi32>
    %get3A = arith.constant 0 : index
    %get3A_21 = vector.load %arg1[%get3A] : memref<320000xi32, #tpu.memory_space<vmem>>, vector<320000xi32>
    %reshape3A = vector.shape_cast %get3A_21 : vector<320000xi32> to vector<2500x128xi32>
    %get3A_22 = arith.constant 0 : index
    %get3A_23 = arith.constant 0 : index
    %get3A_24 = vector.load %arg0[%get3A_22, %get3A_23] : memref<2x320000xi32, #tpu.memory_space<vmem>>, vector<1x320000xi32>
    %get3A_25 = vector.shape_cast %get3A_24 : vector<1x320000xi32> to vector<320000xi32>
    %reshape3A_26 = vector.shape_cast %get3A_25 : vector<320000xi32> to vector<2500x128xi32>
    %get3A_27 = arith.constant 1 : index
    %get3A_28 = arith.constant 0 : index
    %get3A_29 = vector.load %arg0[%get3A_27, %get3A_28] : memref<2x320000xi32, #tpu.memory_space<vmem>>, vector<1x320000xi32>
    %get3A_30 = vector.shape_cast %get3A_29 : vector<1x320000xi32> to vector<320000xi32>
    %reshape3A_31 = vector.shape_cast %get3A_30 : vector<320000xi32> to vector<2500x128xi32>
    %mul3A_32 = arith.constant 10240 : i32
    %mul3A_33 = vector.broadcast %mul3A_32 : i32 to vector<2500x128xi32>
    %mul3A_34 = arith.muli %reshape3A, %mul3A_33 : vector<2500x128xi32>
    %add3A_35 = arith.addi %mul3A_34, %reshape3A_26 : vector<2500x128xi32>
    %concatenate3A = tpu.concatenate %add3A_35, %add3A_20 in 0 : vector<2500x128xi32>, vector<60x128xi32> -> vector<2560x128xi32>
    %mul3A_36 = arith.constant 10240 : i32
    %mul3A_37 = vector.broadcast %mul3A_36 : i32 to vector<2500x128xi32>
    %mul3A_38 = arith.muli %reshape3A, %mul3A_37 : vector<2500x128xi32>
    %add3A_39 = arith.addi %mul3A_38, %reshape3A_31 : vector<2500x128xi32>
    %concatenate3A_40 = tpu.concatenate %add3A_39, %add3A_20 in 0 : vector<2500x128xi32>, vector<60x128xi32> -> vector<2560x128xi32>
    %reshape3A_41 = vector.shape_cast %concatenate3A : vector<2560x128xi32> to vector<32x80x128xi32>
    %swap3A = arith.constant 0 : index
    %swap3A_42 = arith.constant 0 : index
    %swap3A_43 = arith.constant 0 : index
    %swap3A_44 = vector.load %arg2[%swap3A, %swap3A_42, %swap3A_43] : memref<32x80x128xi32, #tpu.memory_space<vmem>>, vector<32x80x128xi32>
    tpu.vector_store %arg2[%swap3A, %swap3A_42, %swap3A_43], %reshape3A_41 {strides = array<i32>} : memref<32x80x128xi32, #tpu.memory_space<vmem>>, vector<32x80x128xi32>,
    %reshape3A_45 = vector.shape_cast %concatenate3A_40 : vector<2560x128xi32> to vector<32x80x128xi32>
    %swap3A_46 = arith.constant 0 : index
    %swap3A_47 = arith.constant 0 : index
    %swap3A_48 = arith.constant 0 : index
    %swap3A_49 = vector.load %arg3[%swap3A_46, %swap3A_47, %swap3A_48] : memref<32x80x128xi32, #tpu.memory_space<vmem>>, vector<32x80x128xi32>
    tpu.vector_store %arg3[%swap3A_46, %swap3A_47, %swap3A_48], %reshape3A_45 {strides = array<i32>} : memref<32x80x128xi32, #tpu.memory_space<vmem>>, vector<32x80x128xi32>,
    return
  }
}

module attributes {stable_mosaic.version = 14 : i64} {
  func.func @_table_body(%arg0: i32, %arg1: i32, %arg2: memref<2048x128xf32, #tpu.memory_space<vmem>>, %arg3: memref<1x256x128xf32, #tpu.memory_space<vmem>>, %arg4: memref<1024x128xf32, #tpu.memory_space<vmem>>) attributes {dimension_semantics = [#tpu.dimension_semantics<arbitrary>, #tpu.dimension_semantics<arbitrary>], iteration_bounds = array<i64: 2, 5>, scalar_prefetch = 0 : i64, scratch_operands = 0 : i64, tpu.core_type = #tpu.core_type<tc>, window_params = [{transform_indices = @transform_0, window_bounds = array<i64: 2048, 128>}, {transform_indices = @transform_1, window_bounds = array<i64: 1, 256, 128>}, {transform_indices = @transform_2, window_bounds = array<i64: 1024, 128>}]} {
    %get3A = arith.constant 0 : index
    %get3A_0 = arith.constant 0 : index
    %get3A_1 = vector.load %arg2[%get3A, %get3A_0] : memref<2048x128xf32, #tpu.memory_space<vmem>>, vector<2048x128xf32>
    %reshape3A = vector.shape_cast %get3A_1 : vector<2048x128xf32> to vector<1024x256xf32>
    %get3A_2 = arith.constant 0 : index
    %get3A_3 = arith.constant 0 : index
    %get3A_4 = arith.constant 0 : index
    %get3A_5 = vector.load %arg3[%get3A_2, %get3A_3, %get3A_4] : memref<1x256x128xf32, #tpu.memory_space<vmem>>, vector<1x256x128xf32>
    %get3A_6 = vector.shape_cast %get3A_5 : vector<1x256x128xf32> to vector<256x128xf32>
    %dot_general3A = arith.constant dense<0.000000e+00> : vector<1024x128xf32>
    %dot_general3A_7 = tpu.matmul %reshape3A, %get3A_6, %dot_general3A {dimension_numbers = #tpu.dot_dimension_numbers<[1], [0], [0], [1], [0, 0, 1, 1], [], []>, transpose_lhs_hint = false} : vector<1024x256xf32>, vector<256x128xf32>, vector<1024x128xf32> -> vector<1024x128xf32>
    %swap3A = arith.constant 0 : index
    %swap3A_8 = arith.constant 0 : index
    %swap3A_9 = vector.load %arg4[%swap3A, %swap3A_8] : memref<1024x128xf32, #tpu.memory_space<vmem>>, vector<1024x128xf32>
    tpu.vector_store %arg4[%swap3A, %swap3A_8], %dot_general3A_7 {strides = array<i32>} : memref<1024x128xf32, #tpu.memory_space<vmem>>, vector<1024x128xf32>,
    return
  }
  func.func @transform_0(%arg0: i32, %arg1: i32) -> (i32, i32) {
    %c0_i32 = arith.constant 0 : i32
    %c0_i32_0 = arith.constant 0 : i32
    return %arg1, %c0_i32 : i32, i32
  }
  func.func @transform_1(%arg0: i32, %arg1: i32) -> (i32, i32, i32) {
    %c0_i32 = arith.constant 0 : i32
    %c0_i32_0 = arith.constant 0 : i32
    %c0_i32_1 = arith.constant 0 : i32
    return %arg0, %c0_i32, %c0_i32_0 : i32, i32, i32
  }
  func.func @transform_2(%arg0: i32, %arg1: i32) -> (i32, i32) {
    %mul3A = arith.constant 5 : i32
    %mul3A_0 = arith.muli %arg0, %mul3A : i32
    %add3A = arith.addi %mul3A_0, %arg1 : i32
    %c0_i32 = arith.constant 0 : i32
    %c0_i32_1 = arith.constant 0 : i32
    return %add3A, %c0_i32 : i32, i32
  }
}

module attributes {stable_mosaic.version = 14 : i64} {
  func.func @_root_body(%arg0: i32, %arg1: memref<2048x128xf32, #tpu.memory_space<vmem>>, %arg2: memref<256x128xf32, #tpu.memory_space<vmem>>, %arg3: memref<128xf32, #tpu.memory_space<vmem>>, %arg4: memref<1024x128xf32, #tpu.memory_space<vmem>>) attributes {dimension_semantics = [#tpu.dimension_semantics<arbitrary>], iteration_bounds = array<i64: 5>, scalar_prefetch = 0 : i64, scratch_operands = 0 : i64, tpu.core_type = #tpu.core_type<tc>, window_params = [{transform_indices = @transform_0, window_bounds = array<i64: 2048, 128>}, {pipeline_mode = #tpu.pipeline_mode<synchronous>, transform_indices = @transform_1, window_bounds = array<i64: 256, 128>}, {pipeline_mode = #tpu.pipeline_mode<synchronous>, transform_indices = @transform_2, window_bounds = array<i64: 128>}, {transform_indices = @transform_3, window_bounds = array<i64: 1024, 128>}]} {
    %get3A = arith.constant 0 : index
    %get3A_0 = arith.constant 0 : index
    %get3A_1 = vector.load %arg1[%get3A, %get3A_0] : memref<2048x128xf32, #tpu.memory_space<vmem>>, vector<2048x128xf32>
    %reshape3A = vector.shape_cast %get3A_1 : vector<2048x128xf32> to vector<1024x256xf32>
    %get3A_2 = arith.constant 0 : index
    %get3A_3 = arith.constant 0 : index
    %get3A_4 = vector.load %arg2[%get3A_2, %get3A_3] : memref<256x128xf32, #tpu.memory_space<vmem>>, vector<256x128xf32>
    %dot_general3A = arith.constant dense<0.000000e+00> : vector<1024x128xf32>
    %dot_general3A_5 = tpu.matmul %reshape3A, %get3A_4, %dot_general3A {dimension_numbers = #tpu.dot_dimension_numbers<[1], [0], [0], [1], [0, 0, 1, 1], [], []>, transpose_lhs_hint = false} : vector<1024x256xf32>, vector<256x128xf32>, vector<1024x128xf32> -> vector<1024x128xf32>
    %get3A_6 = arith.constant 0 : index
    %get3A_7 = vector.load %arg3[%get3A_6] : memref<128xf32, #tpu.memory_space<vmem>>, vector<128xf32>
    %broadcast_in_dim3A = vector.shape_cast %get3A_7 : vector<128xf32> to vector<1x128xf32>
    %add3A = vector.broadcast %broadcast_in_dim3A : vector<1x128xf32> to vector<1024x128xf32>
    %add3A_8 = arith.addf %dot_general3A_5, %add3A : vector<1024x128xf32>
    %swap3A = arith.constant 0 : index
    %swap3A_9 = arith.constant 0 : index
    %swap3A_10 = vector.load %arg4[%swap3A, %swap3A_9] : memref<1024x128xf32, #tpu.memory_space<vmem>>, vector<1024x128xf32>
    tpu.vector_store %arg4[%swap3A, %swap3A_9], %add3A_8 {strides = array<i32>} : memref<1024x128xf32, #tpu.memory_space<vmem>>, vector<1024x128xf32>,
    return
  }
  func.func @transform_0(%arg0: i32) -> (i32, i32) {
    %c0_i32 = arith.constant 0 : i32
    %c0_i32_0 = arith.constant 0 : i32
    return %arg0, %c0_i32 : i32, i32
  }
  func.func @transform_1(%arg0: i32) -> (i32, i32) {
    %c0_i32 = arith.constant 0 : i32
    %c0_i32_0 = arith.constant 0 : i32
    %c0_i32_1 = arith.constant 0 : i32
    return %c0_i32, %c0_i32_0 : i32, i32
  }
  func.func @transform_2(%arg0: i32) -> i32 {
    %c0_i32 = arith.constant 0 : i32
    %c0_i32_0 = arith.constant 0 : i32
    return %c0_i32 : i32
  }
  func.func @transform_3(%arg0: i32) -> (i32, i32) {
    %c0_i32 = arith.constant 0 : i32
    %c0_i32_0 = arith.constant 0 : i32
    return %arg0, %c0_i32 : i32, i32
  }
}

module attributes {stable_mosaic.version = 14 : i64} {
  func.func @_hid_body(%arg0: i32, %arg1: memref<1024x128xf32, #tpu.memory_space<vmem>>, %arg2: memref<2x2x1024x128xf32, #tpu.memory_space<vmem>>, %arg3: memref<2x2x1024x16xf32, #tpu.memory_space<vmem>>, %arg4: memref<64xf32, #tpu.memory_space<vmem>>, %arg5: memref<64xf32, #tpu.memory_space<vmem>>, %arg6: memref<1024x128xf32, #tpu.memory_space<vmem>>) attributes {dimension_semantics = [#tpu.dimension_semantics<arbitrary>], iteration_bounds = array<i64: 5>, scalar_prefetch = 0 : i64, scratch_operands = 0 : i64, tpu.core_type = #tpu.core_type<tc>, window_params = [{transform_indices = @transform_0, window_bounds = array<i64: 1024, 128>}, {transform_indices = @transform_1, window_bounds = array<i64: 2, 2, 1024, 128>}, {transform_indices = @transform_2, window_bounds = array<i64: 2, 2, 1024, 16>}, {pipeline_mode = #tpu.pipeline_mode<synchronous>, transform_indices = @transform_3, window_bounds = array<i64: 64>}, {pipeline_mode = #tpu.pipeline_mode<synchronous>, transform_indices = @transform_4, window_bounds = array<i64: 64>}, {transform_indices = @transform_5, window_bounds = array<i64: 1024, 128>}]} {
    %get3A = arith.constant 0 : index
    %get3A_0 = arith.constant 0 : index
    %get3A_1 = vector.load %arg1[%get3A, %get3A_0] : memref<1024x128xf32, #tpu.memory_space<vmem>>, vector<1024x128xf32>
    %get3A_2 = arith.constant 0 : index
    %get3A_3 = arith.constant 0 : index
    %get3A_4 = arith.constant 0 : index
    %get3A_5 = arith.constant 0 : index
    %get3A_6 = vector.load %arg2[%get3A_2, %get3A_3, %get3A_4, %get3A_5] : memref<2x2x1024x128xf32, #tpu.memory_space<vmem>>, vector<1x1x1024x128xf32>
    %get3A_7 = vector.shape_cast %get3A_6 : vector<1x1x1024x128xf32> to vector<1024x128xf32>
    %get3A_8 = arith.constant 1 : index
    %get3A_9 = arith.constant 0 : index
    %get3A_10 = arith.constant 0 : index
    %get3A_11 = arith.constant 0 : index
    %get3A_12 = vector.load %arg2[%get3A_8, %get3A_9, %get3A_10, %get3A_11] : memref<2x2x1024x128xf32, #tpu.memory_space<vmem>>, vector<1x1x1024x128xf32>
    %get3A_13 = vector.shape_cast %get3A_12 : vector<1x1x1024x128xf32> to vector<1024x128xf32>
    %add3A = arith.addf %get3A_7, %get3A_13 : vector<1024x128xf32>
    %get3A_14 = arith.constant 0 : index
    %get3A_15 = arith.constant 0 : index
    %get3A_16 = arith.constant 0 : index
    %get3A_17 = arith.constant 0 : index
    %get3A_18 = vector.load %arg3[%get3A_14, %get3A_15, %get3A_16, %get3A_17] : memref<2x2x1024x16xf32, #tpu.memory_space<vmem>>, vector<1x1x1024x1xf32>
    %get3A_19 = vector.shape_cast %get3A_18 : vector<1x1x1024x1xf32> to vector<1024x1xf32>
    %get3A_20 = arith.constant 1 : index
    %get3A_21 = arith.constant 0 : index
    %get3A_22 = arith.constant 0 : index
    %get3A_23 = arith.constant 0 : index
    %get3A_24 = vector.load %arg3[%get3A_20, %get3A_21, %get3A_22, %get3A_23] : memref<2x2x1024x16xf32, #tpu.memory_space<vmem>>, vector<1x1x1024x1xf32>
    %get3A_25 = vector.shape_cast %get3A_24 : vector<1x1x1024x1xf32> to vector<1024x1xf32>
    %add3A_26 = arith.addf %get3A_19, %get3A_25 : vector<1024x1xf32>
    %max3A = arith.constant 1.000000e+00 : f32
    %max3A_27 = vector.broadcast %max3A : f32 to vector<1024x1xf32>
    %max3A_28 = arith.maximumf %add3A_26, %max3A_27 : vector<1024x1xf32>
    %get3A_29 = arith.constant 0 : index
    %get3A_30 = arith.constant 0 : index
    %get3A_31 = arith.constant 0 : index
    %get3A_32 = arith.constant 8 : index
    %get3A_33 = vector.load %arg3[%get3A_29, %get3A_30, %get3A_31, %get3A_32] : memref<2x2x1024x16xf32, #tpu.memory_space<vmem>>, vector<1x1x1024x1xf32>
    %get3A_34 = vector.shape_cast %get3A_33 : vector<1x1x1024x1xf32> to vector<1024x1xf32>
    %get3A_35 = arith.constant 1 : index
    %get3A_36 = arith.constant 0 : index
    %get3A_37 = arith.constant 0 : index
    %get3A_38 = arith.constant 8 : index
    %get3A_39 = vector.load %arg3[%get3A_35, %get3A_36, %get3A_37, %get3A_38] : memref<2x2x1024x16xf32, #tpu.memory_space<vmem>>, vector<1x1x1024x1xf32>
    %get3A_40 = vector.shape_cast %get3A_39 : vector<1x1x1024x1xf32> to vector<1024x1xf32>
    %add3A_41 = arith.addf %get3A_34, %get3A_40 : vector<1024x1xf32>
    %max3A_42 = arith.constant 1.000000e+00 : f32
    %max3A_43 = vector.broadcast %max3A_42 : f32 to vector<1024x1xf32>
    %max3A_44 = arith.maximumf %add3A_41, %max3A_43 : vector<1024x1xf32>
    %broadcast_in_dim3A = vector.shape_cast %max3A_28 : vector<1024x1xf32> to vector<1024x1xf32>
    %broadcast_in_dim3A_45 = vector.broadcast %broadcast_in_dim3A : vector<1024x1xf32> to vector<1024x64xf32>
    %broadcast_in_dim3A_46 = vector.shape_cast %max3A_44 : vector<1024x1xf32> to vector<1024x1xf32>
    %broadcast_in_dim3A_47 = vector.broadcast %broadcast_in_dim3A_46 : vector<1024x1xf32> to vector<1024x64xf32>
    %concatenate3A = tpu.concatenate %broadcast_in_dim3A_45, %broadcast_in_dim3A_47 in 1 : vector<1024x64xf32>, vector<1024x64xf32> -> vector<1024x128xf32>
    %div3A = arith.divf %add3A, %concatenate3A : vector<1024x128xf32>
    %get3A_48 = arith.constant 0 : index
    %get3A_49 = arith.constant 1 : index
    %get3A_50 = arith.constant 0 : index
    %get3A_51 = arith.constant 0 : index
    %get3A_52 = vector.load %arg2[%get3A_48, %get3A_49, %get3A_50, %get3A_51] : memref<2x2x1024x128xf32, #tpu.memory_space<vmem>>, vector<1x1x1024x128xf32>
    %get3A_53 = vector.shape_cast %get3A_52 : vector<1x1x1024x128xf32> to vector<1024x128xf32>
    %get3A_54 = arith.constant 1 : index
    %get3A_55 = arith.constant 1 : index
    %get3A_56 = arith.constant 0 : index
    %get3A_57 = arith.constant 0 : index
    %get3A_58 = vector.load %arg2[%get3A_54, %get3A_55, %get3A_56, %get3A_57] : memref<2x2x1024x128xf32, #tpu.memory_space<vmem>>, vector<1x1x1024x128xf32>
    %get3A_59 = vector.shape_cast %get3A_58 : vector<1x1x1024x128xf32> to vector<1024x128xf32>
    %add3A_60 = arith.addf %get3A_53, %get3A_59 : vector<1024x128xf32>
    %get3A_61 = arith.constant 0 : index
    %get3A_62 = arith.constant 1 : index
    %get3A_63 = arith.constant 0 : index
    %get3A_64 = arith.constant 0 : index
    %get3A_65 = vector.load %arg3[%get3A_61, %get3A_62, %get3A_63, %get3A_64] : memref<2x2x1024x16xf32, #tpu.memory_space<vmem>>, vector<1x1x1024x1xf32>
    %get3A_66 = vector.shape_cast %get3A_65 : vector<1x1x1024x1xf32> to vector<1024x1xf32>
    %get3A_67 = arith.constant 1 : index
    %get3A_68 = arith.constant 1 : index
    %get3A_69 = arith.constant 0 : index
    %get3A_70 = arith.constant 0 : index
    %get3A_71 = vector.load %arg3[%get3A_67, %get3A_68, %get3A_69, %get3A_70] : memref<2x2x1024x16xf32, #tpu.memory_space<vmem>>, vector<1x1x1024x1xf32>
    %get3A_72 = vector.shape_cast %get3A_71 : vector<1x1x1024x1xf32> to vector<1024x1xf32>
    %add3A_73 = arith.addf %get3A_66, %get3A_72 : vector<1024x1xf32>
    %max3A_74 = arith.constant 1.000000e+00 : f32
    %max3A_75 = vector.broadcast %max3A_74 : f32 to vector<1024x1xf32>
    %max3A_76 = arith.maximumf %add3A_73, %max3A_75 : vector<1024x1xf32>
    %get3A_77 = arith.constant 0 : index
    %get3A_78 = arith.constant 1 : index
    %get3A_79 = arith.constant 0 : index
    %get3A_80 = arith.constant 8 : index
    %get3A_81 = vector.load %arg3[%get3A_77, %get3A_78, %get3A_79, %get3A_80] : memref<2x2x1024x16xf32, #tpu.memory_space<vmem>>, vector<1x1x1024x1xf32>
    %get3A_82 = vector.shape_cast %get3A_81 : vector<1x1x1024x1xf32> to vector<1024x1xf32>
    %get3A_83 = arith.constant 1 : index
    %get3A_84 = arith.constant 1 : index
    %get3A_85 = arith.constant 0 : index
    %get3A_86 = arith.constant 8 : index
    %get3A_87 = vector.load %arg3[%get3A_83, %get3A_84, %get3A_85, %get3A_86] : memref<2x2x1024x16xf32, #tpu.memory_space<vmem>>, vector<1x1x1024x1xf32>
    %get3A_88 = vector.shape_cast %get3A_87 : vector<1x1x1024x1xf32> to vector<1024x1xf32>
    %add3A_89 = arith.addf %get3A_82, %get3A_88 : vector<1024x1xf32>
    %max3A_90 = arith.constant 1.000000e+00 : f32
    %max3A_91 = vector.broadcast %max3A_90 : f32 to vector<1024x1xf32>
    %max3A_92 = arith.maximumf %add3A_89, %max3A_91 : vector<1024x1xf32>
    %broadcast_in_dim3A_93 = vector.shape_cast %max3A_76 : vector<1024x1xf32> to vector<1024x1xf32>
    %broadcast_in_dim3A_94 = vector.broadcast %broadcast_in_dim3A_93 : vector<1024x1xf32> to vector<1024x64xf32>
    %broadcast_in_dim3A_95 = vector.shape_cast %max3A_92 : vector<1024x1xf32> to vector<1024x1xf32>
    %broadcast_in_dim3A_96 = vector.broadcast %broadcast_in_dim3A_95 : vector<1024x1xf32> to vector<1024x64xf32>
    %concatenate3A_97 = tpu.concatenate %broadcast_in_dim3A_94, %broadcast_in_dim3A_96 in 1 : vector<1024x64xf32>, vector<1024x64xf32> -> vector<1024x128xf32>
    %div3A_98 = arith.divf %add3A_60, %concatenate3A_97 : vector<1024x128xf32>
    %add3A_99 = arith.addf %div3A, %div3A_98 : vector<1024x128xf32>
    %add3A_100 = arith.addf %get3A_1, %add3A_99 : vector<1024x128xf32>
    %get3A_101 = arith.constant 0 : index
    %get3A_102 = vector.load %arg4[%get3A_101] : memref<64xf32, #tpu.memory_space<vmem>>, vector<64xf32>
    %broadcast_in_dim3A_103 = vector.shape_cast %get3A_102 : vector<64xf32> to vector<1x64xf32>
    %get3A_104 = arith.constant 0 : index
    %get3A_105 = vector.load %arg5[%get3A_104] : memref<64xf32, #tpu.memory_space<vmem>>, vector<64xf32>
    %broadcast_in_dim3A_106 = vector.shape_cast %get3A_105 : vector<64xf32> to vector<1x64xf32>
    %slice3A = vector.extract_strided_slice %add3A_100 {offsets = [0, 0], sizes = [1024, 64], strides = [1, 1]} : vector<1024x128xf32> to vector<1024x64xf32>
    %reduce_sum3A = arith.constant dense<0.000000e+00> : vector<1024xf32>
    %reduce_sum3A_107 = vector.multi_reduction <add>, %slice3A, %reduce_sum3A [1] : vector<1024x64xf32> to vector<1024xf32>
    %broadcast_in_dim3A_108 = vector.shape_cast %reduce_sum3A_107 : vector<1024xf32> to vector<1024x1xf32>
    %div3A_109 = arith.constant 6.400000e+01 : f32
    %div3A_110 = vector.broadcast %div3A_109 : f32 to vector<1024x1xf32>
    %div3A_111 = arith.divf %broadcast_in_dim3A_108, %div3A_110 : vector<1024x1xf32>
    %sub3A = vector.broadcast %div3A_111 : vector<1024x1xf32> to vector<1024x64xf32>
    %sub3A_112 = arith.subf %slice3A, %sub3A : vector<1024x64xf32>
    %integer_pow3A = arith.mulf %sub3A_112, %sub3A_112 : vector<1024x64xf32>
    %reduce_sum3A_113 = arith.constant dense<0.000000e+00> : vector<1024xf32>
    %reduce_sum3A_114 = vector.multi_reduction <add>, %integer_pow3A, %reduce_sum3A_113 [1] : vector<1024x64xf32> to vector<1024xf32>
    %broadcast_in_dim3A_115 = vector.shape_cast %reduce_sum3A_114 : vector<1024xf32> to vector<1024x1xf32>
    %div3A_116 = arith.constant 6.400000e+01 : f32
    %div3A_117 = vector.broadcast %div3A_116 : f32 to vector<1024x1xf32>
    %div3A_118 = arith.divf %broadcast_in_dim3A_115, %div3A_117 : vector<1024x1xf32>
    %sub3A_119 = vector.broadcast %div3A_111 : vector<1024x1xf32> to vector<1024x64xf32>
    %sub3A_120 = arith.subf %slice3A, %sub3A_119 : vector<1024x64xf32>
    %add3A_121 = arith.constant 9.99999974E-6 : f32
    %add3A_122 = vector.broadcast %add3A_121 : f32 to vector<1024x1xf32>
    %add3A_123 = arith.addf %div3A_118, %add3A_122 : vector<1024x1xf32>
    %sqrt3A = math.sqrt %add3A_123 : vector<1024x1xf32>
    %div3A_124 = vector.broadcast %sqrt3A : vector<1024x1xf32> to vector<1024x64xf32>
    %div3A_125 = arith.divf %sub3A_120, %div3A_124 : vector<1024x64xf32>
    %mul3A = vector.broadcast %broadcast_in_dim3A_103 : vector<1x64xf32> to vector<1024x64xf32>
    %mul3A_126 = arith.mulf %div3A_125, %mul3A : vector<1024x64xf32>
    %add3A_127 = vector.broadcast %broadcast_in_dim3A_106 : vector<1x64xf32> to vector<1024x64xf32>
    %add3A_128 = arith.addf %mul3A_126, %add3A_127 : vector<1024x64xf32>
    %slice3A_129 = vector.extract_strided_slice %add3A_100 {offsets = [0, 64], sizes = [1024, 64], strides = [1, 1]} : vector<1024x128xf32> to vector<1024x64xf32>
    %reduce_sum3A_130 = arith.constant dense<0.000000e+00> : vector<1024xf32>
    %reduce_sum3A_131 = vector.multi_reduction <add>, %slice3A_129, %reduce_sum3A_130 [1] : vector<1024x64xf32> to vector<1024xf32>
    %broadcast_in_dim3A_132 = vector.shape_cast %reduce_sum3A_131 : vector<1024xf32> to vector<1024x1xf32>
    %div3A_133 = arith.constant 6.400000e+01 : f32
    %div3A_134 = vector.broadcast %div3A_133 : f32 to vector<1024x1xf32>
    %div3A_135 = arith.divf %broadcast_in_dim3A_132, %div3A_134 : vector<1024x1xf32>
    %sub3A_136 = vector.broadcast %div3A_135 : vector<1024x1xf32> to vector<1024x64xf32>
    %sub3A_137 = arith.subf %slice3A_129, %sub3A_136 : vector<1024x64xf32>
    %integer_pow3A_138 = arith.mulf %sub3A_137, %sub3A_137 : vector<1024x64xf32>
    %reduce_sum3A_139 = arith.constant dense<0.000000e+00> : vector<1024xf32>
    %reduce_sum3A_140 = vector.multi_reduction <add>, %integer_pow3A_138, %reduce_sum3A_139 [1] : vector<1024x64xf32> to vector<1024xf32>
    %broadcast_in_dim3A_141 = vector.shape_cast %reduce_sum3A_140 : vector<1024xf32> to vector<1024x1xf32>
    %div3A_142 = arith.constant 6.400000e+01 : f32
    %div3A_143 = vector.broadcast %div3A_142 : f32 to vector<1024x1xf32>
    %div3A_144 = arith.divf %broadcast_in_dim3A_141, %div3A_143 : vector<1024x1xf32>
    %sub3A_145 = vector.broadcast %div3A_135 : vector<1024x1xf32> to vector<1024x64xf32>
    %sub3A_146 = arith.subf %slice3A_129, %sub3A_145 : vector<1024x64xf32>
    %add3A_147 = arith.constant 9.99999974E-6 : f32
    %add3A_148 = vector.broadcast %add3A_147 : f32 to vector<1024x1xf32>
    %add3A_149 = arith.addf %div3A_144, %add3A_148 : vector<1024x1xf32>
    %sqrt3A_150 = math.sqrt %add3A_149 : vector<1024x1xf32>
    %div3A_151 = vector.broadcast %sqrt3A_150 : vector<1024x1xf32> to vector<1024x64xf32>
    %div3A_152 = arith.divf %sub3A_146, %div3A_151 : vector<1024x64xf32>
    %mul3A_153 = vector.broadcast %broadcast_in_dim3A_103 : vector<1x64xf32> to vector<1024x64xf32>
    %mul3A_154 = arith.mulf %div3A_152, %mul3A_153 : vector<1024x64xf32>
    %add3A_155 = vector.broadcast %broadcast_in_dim3A_106 : vector<1x64xf32> to vector<1024x64xf32>
    %add3A_156 = arith.addf %mul3A_154, %add3A_155 : vector<1024x64xf32>
    %concatenate3A_157 = tpu.concatenate %add3A_128, %add3A_156 in 1 : vector<1024x64xf32>, vector<1024x64xf32> -> vector<1024x128xf32>
    %mul3A_158 = arith.constant 5.000000e-01 : f32
    %mul3A_159 = vector.broadcast %mul3A_158 : f32 to vector<1024x128xf32>
    %mul3A_160 = arith.mulf %mul3A_159, %concatenate3A_157 : vector<1024x128xf32>
    %mul3A_161 = arith.constant 0.707106769 : f32
    %mul3A_162 = vector.broadcast %mul3A_161 : f32 to vector<1024x128xf32>
    %mul3A_163 = arith.mulf %concatenate3A_157, %mul3A_162 : vector<1024x128xf32>
    %erf3A = math.erf %mul3A_163 : vector<1024x128xf32>
    %add3A_164 = arith.constant 1.000000e+00 : f32
    %add3A_165 = vector.broadcast %add3A_164 : f32 to vector<1024x128xf32>
    %add3A_166 = arith.addf %add3A_165, %erf3A : vector<1024x128xf32>
    %mul3A_167 = arith.mulf %mul3A_160, %add3A_166 : vector<1024x128xf32>
    %swap3A = arith.constant 0 : index
    %swap3A_168 = arith.constant 0 : index
    %swap3A_169 = vector.load %arg6[%swap3A, %swap3A_168] : memref<1024x128xf32, #tpu.memory_space<vmem>>, vector<1024x128xf32>
    tpu.vector_store %arg6[%swap3A, %swap3A_168], %mul3A_167 {strides = array<i32>} : memref<1024x128xf32, #tpu.memory_space<vmem>>, vector<1024x128xf32>,
    return
  }
  func.func @transform_0(%arg0: i32) -> (i32, i32) {
    %c0_i32 = arith.constant 0 : i32
    %c0_i32_0 = arith.constant 0 : i32
    return %arg0, %c0_i32 : i32, i32
  }
  func.func @transform_1(%arg0: i32) -> (i32, i32, i32, i32) {
    %c0_i32 = arith.constant 0 : i32
    %c0_i32_0 = arith.constant 0 : i32
    %c0_i32_1 = arith.constant 0 : i32
    %c0_i32_2 = arith.constant 0 : i32
    return %c0_i32, %c0_i32_0, %arg0, %c0_i32_1 : i32, i32, i32, i32
  }
  func.func @transform_2(%arg0: i32) -> (i32, i32, i32, i32) {
    %c0_i32 = arith.constant 0 : i32
    %c0_i32_0 = arith.constant 0 : i32
    %c0_i32_1 = arith.constant 0 : i32
    %c0_i32_2 = arith.constant 0 : i32
    return %c0_i32, %c0_i32_0, %arg0, %c0_i32_1 : i32, i32, i32, i32
  }
  func.func @transform_3(%arg0: i32) -> i32 {
    %c0_i32 = arith.constant 0 : i32
    %c0_i32_0 = arith.constant 0 : i32
    return %c0_i32 : i32
  }
  func.func @transform_4(%arg0: i32) -> i32 {
    %c0_i32 = arith.constant 0 : i32
    %c0_i32_0 = arith.constant 0 : i32
    return %c0_i32 : i32
  }
  func.func @transform_5(%arg0: i32) -> (i32, i32) {
    %c0_i32 = arith.constant 0 : i32
    %c0_i32_0 = arith.constant 0 : i32
    return %arg0, %c0_i32 : i32, i32
  }
}

module attributes {stable_mosaic.version = 14 : i64} {
  func.func @_table_body(%arg0: i32, %arg1: i32, %arg2: memref<1024x128xf32, #tpu.memory_space<vmem>>, %arg3: memref<1x128x128xf32, #tpu.memory_space<vmem>>, %arg4: memref<1024x128xf32, #tpu.memory_space<vmem>>) attributes {dimension_semantics = [#tpu.dimension_semantics<arbitrary>, #tpu.dimension_semantics<arbitrary>], iteration_bounds = array<i64: 2, 5>, scalar_prefetch = 0 : i64, scratch_operands = 0 : i64, tpu.core_type = #tpu.core_type<tc>, window_params = [{transform_indices = @transform_0, window_bounds = array<i64: 1024, 128>}, {transform_indices = @transform_1, window_bounds = array<i64: 1, 128, 128>}, {transform_indices = @transform_2, window_bounds = array<i64: 1024, 128>}]} {
    %get3A = arith.constant 0 : index
    %get3A_0 = arith.constant 0 : index
    %get3A_1 = vector.load %arg2[%get3A, %get3A_0] : memref<1024x128xf32, #tpu.memory_space<vmem>>, vector<1024x128xf32>
    %get3A_2 = arith.constant 0 : index
    %get3A_3 = arith.constant 0 : index
    %get3A_4 = arith.constant 0 : index
    %get3A_5 = vector.load %arg3[%get3A_2, %get3A_3, %get3A_4] : memref<1x128x128xf32, #tpu.memory_space<vmem>>, vector<1x128x128xf32>
    %get3A_6 = vector.shape_cast %get3A_5 : vector<1x128x128xf32> to vector<128x128xf32>
    %dot_general3A = arith.constant dense<0.000000e+00> : vector<1024x128xf32>
    %dot_general3A_7 = tpu.matmul %get3A_1, %get3A_6, %dot_general3A {dimension_numbers = #tpu.dot_dimension_numbers<[1], [0], [0], [1], [0, 0, 1, 1], [], []>, transpose_lhs_hint = false} : vector<1024x128xf32>, vector<128x128xf32>, vector<1024x128xf32> -> vector<1024x128xf32>
    %swap3A = arith.constant 0 : index
    %swap3A_8 = arith.constant 0 : index
    %swap3A_9 = vector.load %arg4[%swap3A, %swap3A_8] : memref<1024x128xf32, #tpu.memory_space<vmem>>, vector<1024x128xf32>
    tpu.vector_store %arg4[%swap3A, %swap3A_8], %dot_general3A_7 {strides = array<i32>} : memref<1024x128xf32, #tpu.memory_space<vmem>>, vector<1024x128xf32>,
    return
  }
  func.func @transform_0(%arg0: i32, %arg1: i32) -> (i32, i32) {
    %c0_i32 = arith.constant 0 : i32
    %c0_i32_0 = arith.constant 0 : i32
    return %arg1, %c0_i32 : i32, i32
  }
  func.func @transform_1(%arg0: i32, %arg1: i32) -> (i32, i32, i32) {
    %c0_i32 = arith.constant 0 : i32
    %c0_i32_0 = arith.constant 0 : i32
    %c0_i32_1 = arith.constant 0 : i32
    return %arg0, %c0_i32, %c0_i32_0 : i32, i32, i32
  }
  func.func @transform_2(%arg0: i32, %arg1: i32) -> (i32, i32) {
    %mul3A = arith.constant 5 : i32
    %mul3A_0 = arith.muli %arg0, %mul3A : i32
    %add3A = arith.addi %mul3A_0, %arg1 : i32
    %c0_i32 = arith.constant 0 : i32
    %c0_i32_1 = arith.constant 0 : i32
    return %add3A, %c0_i32 : i32, i32
  }
}

module attributes {stable_mosaic.version = 14 : i64} {
  func.func @_root_body(%arg0: i32, %arg1: memref<1024x128xf32, #tpu.memory_space<vmem>>, %arg2: memref<128x128xf32, #tpu.memory_space<vmem>>, %arg3: memref<128xf32, #tpu.memory_space<vmem>>, %arg4: memref<1024x128xf32, #tpu.memory_space<vmem>>) attributes {dimension_semantics = [#tpu.dimension_semantics<arbitrary>], iteration_bounds = array<i64: 5>, scalar_prefetch = 0 : i64, scratch_operands = 0 : i64, tpu.core_type = #tpu.core_type<tc>, window_params = [{transform_indices = @transform_0, window_bounds = array<i64: 1024, 128>}, {pipeline_mode = #tpu.pipeline_mode<synchronous>, transform_indices = @transform_1, window_bounds = array<i64: 128, 128>}, {pipeline_mode = #tpu.pipeline_mode<synchronous>, transform_indices = @transform_2, window_bounds = array<i64: 128>}, {transform_indices = @transform_3, window_bounds = array<i64: 1024, 128>}]} {
    %get3A = arith.constant 0 : index
    %get3A_0 = arith.constant 0 : index
    %get3A_1 = vector.load %arg1[%get3A, %get3A_0] : memref<1024x128xf32, #tpu.memory_space<vmem>>, vector<1024x128xf32>
    %get3A_2 = arith.constant 0 : index
    %get3A_3 = arith.constant 0 : index
    %get3A_4 = vector.load %arg2[%get3A_2, %get3A_3] : memref<128x128xf32, #tpu.memory_space<vmem>>, vector<128x128xf32>
    %dot_general3A = arith.constant dense<0.000000e+00> : vector<1024x128xf32>
    %dot_general3A_5 = tpu.matmul %get3A_1, %get3A_4, %dot_general3A {dimension_numbers = #tpu.dot_dimension_numbers<[1], [0], [0], [1], [0, 0, 1, 1], [], []>, transpose_lhs_hint = false} : vector<1024x128xf32>, vector<128x128xf32>, vector<1024x128xf32> -> vector<1024x128xf32>
    %get3A_6 = arith.constant 0 : index
    %get3A_7 = vector.load %arg3[%get3A_6] : memref<128xf32, #tpu.memory_space<vmem>>, vector<128xf32>
    %broadcast_in_dim3A = vector.shape_cast %get3A_7 : vector<128xf32> to vector<1x128xf32>
    %add3A = vector.broadcast %broadcast_in_dim3A : vector<1x128xf32> to vector<1024x128xf32>
    %add3A_8 = arith.addf %dot_general3A_5, %add3A : vector<1024x128xf32>
    %swap3A = arith.constant 0 : index
    %swap3A_9 = arith.constant 0 : index
    %swap3A_10 = vector.load %arg4[%swap3A, %swap3A_9] : memref<1024x128xf32, #tpu.memory_space<vmem>>, vector<1024x128xf32>
    tpu.vector_store %arg4[%swap3A, %swap3A_9], %add3A_8 {strides = array<i32>} : memref<1024x128xf32, #tpu.memory_space<vmem>>, vector<1024x128xf32>,
    return
  }
  func.func @transform_0(%arg0: i32) -> (i32, i32) {
    %c0_i32 = arith.constant 0 : i32
    %c0_i32_0 = arith.constant 0 : i32
    return %arg0, %c0_i32 : i32, i32
  }
  func.func @transform_1(%arg0: i32) -> (i32, i32) {
    %c0_i32 = arith.constant 0 : i32
    %c0_i32_0 = arith.constant 0 : i32
    %c0_i32_1 = arith.constant 0 : i32
    return %c0_i32, %c0_i32_0 : i32, i32
  }
  func.func @transform_2(%arg0: i32) -> i32 {
    %c0_i32 = arith.constant 0 : i32
    %c0_i32_0 = arith.constant 0 : i32
    return %c0_i32 : i32
  }
  func.func @transform_3(%arg0: i32) -> (i32, i32) {
    %c0_i32 = arith.constant 0 : i32
    %c0_i32_0 = arith.constant 0 : i32
    return %arg0, %c0_i32 : i32, i32
  }
}

module attributes {stable_mosaic.version = 14 : i64} {
  func.func @_final_body(%arg0: i32, %arg1: memref<1000x128xf32, #tpu.memory_space<vmem>>, %arg2: memref<2x2x1000x128xf32, #tpu.memory_space<vmem>>, %arg3: memref<2x2x1000x16xf32, #tpu.memory_space<vmem>>, %arg4: memref<64xf32, #tpu.memory_space<vmem>>, %arg5: memref<64xf32, #tpu.memory_space<vmem>>, %arg6: memref<1000x128xf32, #tpu.memory_space<vmem>>) attributes {dimension_semantics = [#tpu.dimension_semantics<arbitrary>], iteration_bounds = array<i64: 5>, scalar_prefetch = 0 : i64, scratch_operands = 0 : i64, tpu.core_type = #tpu.core_type<tc>, window_params = [{transform_indices = @transform_0, window_bounds = array<i64: 1000, 128>}, {transform_indices = @transform_1, window_bounds = array<i64: 2, 2, 1000, 128>}, {transform_indices = @transform_2, window_bounds = array<i64: 2, 2, 1000, 16>}, {pipeline_mode = #tpu.pipeline_mode<synchronous>, transform_indices = @transform_3, window_bounds = array<i64: 64>}, {pipeline_mode = #tpu.pipeline_mode<synchronous>, transform_indices = @transform_4, window_bounds = array<i64: 64>}, {transform_indices = @transform_5, window_bounds = array<i64: 1000, 128>}]} {
    %get3A = arith.constant 0 : index
    %get3A_0 = arith.constant 0 : index
    %get3A_1 = vector.load %arg1[%get3A, %get3A_0] : memref<1000x128xf32, #tpu.memory_space<vmem>>, vector<1000x128xf32>
    %get3A_2 = arith.constant 0 : index
    %get3A_3 = arith.constant 0 : index
    %get3A_4 = arith.constant 0 : index
    %get3A_5 = arith.constant 0 : index
    %get3A_6 = vector.load %arg2[%get3A_2, %get3A_3, %get3A_4, %get3A_5] : memref<2x2x1000x128xf32, #tpu.memory_space<vmem>>, vector<1x1x1000x128xf32>
    %get3A_7 = vector.shape_cast %get3A_6 : vector<1x1x1000x128xf32> to vector<1000x128xf32>
    %get3A_8 = arith.constant 1 : index
    %get3A_9 = arith.constant 0 : index
    %get3A_10 = arith.constant 0 : index
    %get3A_11 = arith.constant 0 : index
    %get3A_12 = vector.load %arg2[%get3A_8, %get3A_9, %get3A_10, %get3A_11] : memref<2x2x1000x128xf32, #tpu.memory_space<vmem>>, vector<1x1x1000x128xf32>
    %get3A_13 = vector.shape_cast %get3A_12 : vector<1x1x1000x128xf32> to vector<1000x128xf32>
    %add3A = arith.addf %get3A_7, %get3A_13 : vector<1000x128xf32>
    %get3A_14 = arith.constant 0 : index
    %get3A_15 = arith.constant 0 : index
    %get3A_16 = arith.constant 0 : index
    %get3A_17 = arith.constant 0 : index
    %get3A_18 = vector.load %arg3[%get3A_14, %get3A_15, %get3A_16, %get3A_17] : memref<2x2x1000x16xf32, #tpu.memory_space<vmem>>, vector<1x1x1000x1xf32>
    %get3A_19 = vector.shape_cast %get3A_18 : vector<1x1x1000x1xf32> to vector<1000x1xf32>
    %get3A_20 = arith.constant 1 : index
    %get3A_21 = arith.constant 0 : index
    %get3A_22 = arith.constant 0 : index
    %get3A_23 = arith.constant 0 : index
    %get3A_24 = vector.load %arg3[%get3A_20, %get3A_21, %get3A_22, %get3A_23] : memref<2x2x1000x16xf32, #tpu.memory_space<vmem>>, vector<1x1x1000x1xf32>
    %get3A_25 = vector.shape_cast %get3A_24 : vector<1x1x1000x1xf32> to vector<1000x1xf32>
    %add3A_26 = arith.addf %get3A_19, %get3A_25 : vector<1000x1xf32>
    %max3A = arith.constant 1.000000e+00 : f32
    %max3A_27 = vector.broadcast %max3A : f32 to vector<1000x1xf32>
    %max3A_28 = arith.maximumf %add3A_26, %max3A_27 : vector<1000x1xf32>
    %get3A_29 = arith.constant 0 : index
    %get3A_30 = arith.constant 0 : index
    %get3A_31 = arith.constant 0 : index
    %get3A_32 = arith.constant 8 : index
    %get3A_33 = vector.load %arg3[%get3A_29, %get3A_30, %get3A_31, %get3A_32] : memref<2x2x1000x16xf32, #tpu.memory_space<vmem>>, vector<1x1x1000x1xf32>
    %get3A_34 = vector.shape_cast %get3A_33 : vector<1x1x1000x1xf32> to vector<1000x1xf32>
    %get3A_35 = arith.constant 1 : index
    %get3A_36 = arith.constant 0 : index
    %get3A_37 = arith.constant 0 : index
    %get3A_38 = arith.constant 8 : index
    %get3A_39 = vector.load %arg3[%get3A_35, %get3A_36, %get3A_37, %get3A_38] : memref<2x2x1000x16xf32, #tpu.memory_space<vmem>>, vector<1x1x1000x1xf32>
    %get3A_40 = vector.shape_cast %get3A_39 : vector<1x1x1000x1xf32> to vector<1000x1xf32>
    %add3A_41 = arith.addf %get3A_34, %get3A_40 : vector<1000x1xf32>
    %max3A_42 = arith.constant 1.000000e+00 : f32
    %max3A_43 = vector.broadcast %max3A_42 : f32 to vector<1000x1xf32>
    %max3A_44 = arith.maximumf %add3A_41, %max3A_43 : vector<1000x1xf32>
    %broadcast_in_dim3A = vector.shape_cast %max3A_28 : vector<1000x1xf32> to vector<1000x1xf32>
    %broadcast_in_dim3A_45 = vector.broadcast %broadcast_in_dim3A : vector<1000x1xf32> to vector<1000x64xf32>
    %broadcast_in_dim3A_46 = vector.shape_cast %max3A_44 : vector<1000x1xf32> to vector<1000x1xf32>
    %broadcast_in_dim3A_47 = vector.broadcast %broadcast_in_dim3A_46 : vector<1000x1xf32> to vector<1000x64xf32>
    %concatenate3A = tpu.concatenate %broadcast_in_dim3A_45, %broadcast_in_dim3A_47 in 1 : vector<1000x64xf32>, vector<1000x64xf32> -> vector<1000x128xf32>
    %div3A = arith.divf %add3A, %concatenate3A : vector<1000x128xf32>
    %get3A_48 = arith.constant 0 : index
    %get3A_49 = arith.constant 1 : index
    %get3A_50 = arith.constant 0 : index
    %get3A_51 = arith.constant 0 : index
    %get3A_52 = vector.load %arg2[%get3A_48, %get3A_49, %get3A_50, %get3A_51] : memref<2x2x1000x128xf32, #tpu.memory_space<vmem>>, vector<1x1x1000x128xf32>
    %get3A_53 = vector.shape_cast %get3A_52 : vector<1x1x1000x128xf32> to vector<1000x128xf32>
    %get3A_54 = arith.constant 1 : index
    %get3A_55 = arith.constant 1 : index
    %get3A_56 = arith.constant 0 : index
    %get3A_57 = arith.constant 0 : index
    %get3A_58 = vector.load %arg2[%get3A_54, %get3A_55, %get3A_56, %get3A_57] : memref<2x2x1000x128xf32, #tpu.memory_space<vmem>>, vector<1x1x1000x128xf32>
    %get3A_59 = vector.shape_cast %get3A_58 : vector<1x1x1000x128xf32> to vector<1000x128xf32>
    %add3A_60 = arith.addf %get3A_53, %get3A_59 : vector<1000x128xf32>
    %get3A_61 = arith.constant 0 : index
    %get3A_62 = arith.constant 1 : index
    %get3A_63 = arith.constant 0 : index
    %get3A_64 = arith.constant 0 : index
    %get3A_65 = vector.load %arg3[%get3A_61, %get3A_62, %get3A_63, %get3A_64] : memref<2x2x1000x16xf32, #tpu.memory_space<vmem>>, vector<1x1x1000x1xf32>
    %get3A_66 = vector.shape_cast %get3A_65 : vector<1x1x1000x1xf32> to vector<1000x1xf32>
    %get3A_67 = arith.constant 1 : index
    %get3A_68 = arith.constant 1 : index
    %get3A_69 = arith.constant 0 : index
    %get3A_70 = arith.constant 0 : index
    %get3A_71 = vector.load %arg3[%get3A_67, %get3A_68, %get3A_69, %get3A_70] : memref<2x2x1000x16xf32, #tpu.memory_space<vmem>>, vector<1x1x1000x1xf32>
    %get3A_72 = vector.shape_cast %get3A_71 : vector<1x1x1000x1xf32> to vector<1000x1xf32>
    %add3A_73 = arith.addf %get3A_66, %get3A_72 : vector<1000x1xf32>
    %max3A_74 = arith.constant 1.000000e+00 : f32
    %max3A_75 = vector.broadcast %max3A_74 : f32 to vector<1000x1xf32>
    %max3A_76 = arith.maximumf %add3A_73, %max3A_75 : vector<1000x1xf32>
    %get3A_77 = arith.constant 0 : index
    %get3A_78 = arith.constant 1 : index
    %get3A_79 = arith.constant 0 : index
    %get3A_80 = arith.constant 8 : index
    %get3A_81 = vector.load %arg3[%get3A_77, %get3A_78, %get3A_79, %get3A_80] : memref<2x2x1000x16xf32, #tpu.memory_space<vmem>>, vector<1x1x1000x1xf32>
    %get3A_82 = vector.shape_cast %get3A_81 : vector<1x1x1000x1xf32> to vector<1000x1xf32>
    %get3A_83 = arith.constant 1 : index
    %get3A_84 = arith.constant 1 : index
    %get3A_85 = arith.constant 0 : index
    %get3A_86 = arith.constant 8 : index
    %get3A_87 = vector.load %arg3[%get3A_83, %get3A_84, %get3A_85, %get3A_86] : memref<2x2x1000x16xf32, #tpu.memory_space<vmem>>, vector<1x1x1000x1xf32>
    %get3A_88 = vector.shape_cast %get3A_87 : vector<1x1x1000x1xf32> to vector<1000x1xf32>
    %add3A_89 = arith.addf %get3A_82, %get3A_88 : vector<1000x1xf32>
    %max3A_90 = arith.constant 1.000000e+00 : f32
    %max3A_91 = vector.broadcast %max3A_90 : f32 to vector<1000x1xf32>
    %max3A_92 = arith.maximumf %add3A_89, %max3A_91 : vector<1000x1xf32>
    %broadcast_in_dim3A_93 = vector.shape_cast %max3A_76 : vector<1000x1xf32> to vector<1000x1xf32>
    %broadcast_in_dim3A_94 = vector.broadcast %broadcast_in_dim3A_93 : vector<1000x1xf32> to vector<1000x64xf32>
    %broadcast_in_dim3A_95 = vector.shape_cast %max3A_92 : vector<1000x1xf32> to vector<1000x1xf32>
    %broadcast_in_dim3A_96 = vector.broadcast %broadcast_in_dim3A_95 : vector<1000x1xf32> to vector<1000x64xf32>
    %concatenate3A_97 = tpu.concatenate %broadcast_in_dim3A_94, %broadcast_in_dim3A_96 in 1 : vector<1000x64xf32>, vector<1000x64xf32> -> vector<1000x128xf32>
    %div3A_98 = arith.divf %add3A_60, %concatenate3A_97 : vector<1000x128xf32>
    %add3A_99 = arith.addf %div3A, %div3A_98 : vector<1000x128xf32>
    %add3A_100 = arith.addf %get3A_1, %add3A_99 : vector<1000x128xf32>
    %get3A_101 = arith.constant 0 : index
    %get3A_102 = vector.load %arg4[%get3A_101] : memref<64xf32, #tpu.memory_space<vmem>>, vector<64xf32>
    %broadcast_in_dim3A_103 = vector.shape_cast %get3A_102 : vector<64xf32> to vector<1x64xf32>
    %get3A_104 = arith.constant 0 : index
    %get3A_105 = vector.load %arg5[%get3A_104] : memref<64xf32, #tpu.memory_space<vmem>>, vector<64xf32>
    %broadcast_in_dim3A_106 = vector.shape_cast %get3A_105 : vector<64xf32> to vector<1x64xf32>
    %slice3A = vector.extract_strided_slice %add3A_100 {offsets = [0, 0], sizes = [1000, 64], strides = [1, 1]} : vector<1000x128xf32> to vector<1000x64xf32>
    %reduce_sum3A = arith.constant dense<0.000000e+00> : vector<1000xf32>
    %reduce_sum3A_107 = vector.multi_reduction <add>, %slice3A, %reduce_sum3A [1] : vector<1000x64xf32> to vector<1000xf32>
    %broadcast_in_dim3A_108 = vector.shape_cast %reduce_sum3A_107 : vector<1000xf32> to vector<1000x1xf32>
    %div3A_109 = arith.constant 6.400000e+01 : f32
    %div3A_110 = vector.broadcast %div3A_109 : f32 to vector<1000x1xf32>
    %div3A_111 = arith.divf %broadcast_in_dim3A_108, %div3A_110 : vector<1000x1xf32>
    %sub3A = vector.broadcast %div3A_111 : vector<1000x1xf32> to vector<1000x64xf32>
    %sub3A_112 = arith.subf %slice3A, %sub3A : vector<1000x64xf32>
    %integer_pow3A = arith.mulf %sub3A_112, %sub3A_112 : vector<1000x64xf32>
    %reduce_sum3A_113 = arith.constant dense<0.000000e+00> : vector<1000xf32>
    %reduce_sum3A_114 = vector.multi_reduction <add>, %integer_pow3A, %reduce_sum3A_113 [1] : vector<1000x64xf32> to vector<1000xf32>
    %broadcast_in_dim3A_115 = vector.shape_cast %reduce_sum3A_114 : vector<1000xf32> to vector<1000x1xf32>
    %div3A_116 = arith.constant 6.400000e+01 : f32
    %div3A_117 = vector.broadcast %div3A_116 : f32 to vector<1000x1xf32>
    %div3A_118 = arith.divf %broadcast_in_dim3A_115, %div3A_117 : vector<1000x1xf32>
    %sub3A_119 = vector.broadcast %div3A_111 : vector<1000x1xf32> to vector<1000x64xf32>
    %sub3A_120 = arith.subf %slice3A, %sub3A_119 : vector<1000x64xf32>
    %add3A_121 = arith.constant 9.99999974E-6 : f32
    %add3A_122 = vector.broadcast %add3A_121 : f32 to vector<1000x1xf32>
    %add3A_123 = arith.addf %div3A_118, %add3A_122 : vector<1000x1xf32>
    %sqrt3A = math.sqrt %add3A_123 : vector<1000x1xf32>
    %div3A_124 = vector.broadcast %sqrt3A : vector<1000x1xf32> to vector<1000x64xf32>
    %div3A_125 = arith.divf %sub3A_120, %div3A_124 : vector<1000x64xf32>
    %mul3A = vector.broadcast %broadcast_in_dim3A_103 : vector<1x64xf32> to vector<1000x64xf32>
    %mul3A_126 = arith.mulf %div3A_125, %mul3A : vector<1000x64xf32>
    %add3A_127 = vector.broadcast %broadcast_in_dim3A_106 : vector<1x64xf32> to vector<1000x64xf32>
    %add3A_128 = arith.addf %mul3A_126, %add3A_127 : vector<1000x64xf32>
    %slice3A_129 = vector.extract_strided_slice %add3A_100 {offsets = [0, 64], sizes = [1000, 64], strides = [1, 1]} : vector<1000x128xf32> to vector<1000x64xf32>
    %reduce_sum3A_130 = arith.constant dense<0.000000e+00> : vector<1000xf32>
    %reduce_sum3A_131 = vector.multi_reduction <add>, %slice3A_129, %reduce_sum3A_130 [1] : vector<1000x64xf32> to vector<1000xf32>
    %broadcast_in_dim3A_132 = vector.shape_cast %reduce_sum3A_131 : vector<1000xf32> to vector<1000x1xf32>
    %div3A_133 = arith.constant 6.400000e+01 : f32
    %div3A_134 = vector.broadcast %div3A_133 : f32 to vector<1000x1xf32>
    %div3A_135 = arith.divf %broadcast_in_dim3A_132, %div3A_134 : vector<1000x1xf32>
    %sub3A_136 = vector.broadcast %div3A_135 : vector<1000x1xf32> to vector<1000x64xf32>
    %sub3A_137 = arith.subf %slice3A_129, %sub3A_136 : vector<1000x64xf32>
    %integer_pow3A_138 = arith.mulf %sub3A_137, %sub3A_137 : vector<1000x64xf32>
    %reduce_sum3A_139 = arith.constant dense<0.000000e+00> : vector<1000xf32>
    %reduce_sum3A_140 = vector.multi_reduction <add>, %integer_pow3A_138, %reduce_sum3A_139 [1] : vector<1000x64xf32> to vector<1000xf32>
    %broadcast_in_dim3A_141 = vector.shape_cast %reduce_sum3A_140 : vector<1000xf32> to vector<1000x1xf32>
    %div3A_142 = arith.constant 6.400000e+01 : f32
    %div3A_143 = vector.broadcast %div3A_142 : f32 to vector<1000x1xf32>
    %div3A_144 = arith.divf %broadcast_in_dim3A_141, %div3A_143 : vector<1000x1xf32>
    %sub3A_145 = vector.broadcast %div3A_135 : vector<1000x1xf32> to vector<1000x64xf32>
    %sub3A_146 = arith.subf %slice3A_129, %sub3A_145 : vector<1000x64xf32>
    %add3A_147 = arith.constant 9.99999974E-6 : f32
    %add3A_148 = vector.broadcast %add3A_147 : f32 to vector<1000x1xf32>
    %add3A_149 = arith.addf %div3A_144, %add3A_148 : vector<1000x1xf32>
    %sqrt3A_150 = math.sqrt %add3A_149 : vector<1000x1xf32>
    %div3A_151 = vector.broadcast %sqrt3A_150 : vector<1000x1xf32> to vector<1000x64xf32>
    %div3A_152 = arith.divf %sub3A_146, %div3A_151 : vector<1000x64xf32>
    %mul3A_153 = vector.broadcast %broadcast_in_dim3A_103 : vector<1x64xf32> to vector<1000x64xf32>
    %mul3A_154 = arith.mulf %div3A_152, %mul3A_153 : vector<1000x64xf32>
    %add3A_155 = vector.broadcast %broadcast_in_dim3A_106 : vector<1x64xf32> to vector<1000x64xf32>
    %add3A_156 = arith.addf %mul3A_154, %add3A_155 : vector<1000x64xf32>
    %concatenate3A_157 = tpu.concatenate %add3A_128, %add3A_156 in 1 : vector<1000x64xf32>, vector<1000x64xf32> -> vector<1000x128xf32>
    %swap3A = arith.constant 0 : index
    %swap3A_158 = arith.constant 0 : index
    %swap3A_159 = vector.load %arg6[%swap3A, %swap3A_158] : memref<1000x128xf32, #tpu.memory_space<vmem>>, vector<1000x128xf32>
    tpu.vector_store %arg6[%swap3A, %swap3A_158], %concatenate3A_157 {strides = array<i32>} : memref<1000x128xf32, #tpu.memory_space<vmem>>, vector<1000x128xf32>,
    return
  }
  func.func @transform_0(%arg0: i32) -> (i32, i32) {
    %c0_i32 = arith.constant 0 : i32
    %c0_i32_0 = arith.constant 0 : i32
    return %arg0, %c0_i32 : i32, i32
  }
  func.func @transform_1(%arg0: i32) -> (i32, i32, i32, i32) {
    %c0_i32 = arith.constant 0 : i32
    %c0_i32_0 = arith.constant 0 : i32
    %c0_i32_1 = arith.constant 0 : i32
    %c0_i32_2 = arith.constant 0 : i32
    return %c0_i32, %c0_i32_0, %arg0, %c0_i32_1 : i32, i32, i32, i32
  }
  func.func @transform_2(%arg0: i32) -> (i32, i32, i32, i32) {
    %c0_i32 = arith.constant 0 : i32
    %c0_i32_0 = arith.constant 0 : i32
    %c0_i32_1 = arith.constant 0 : i32
    %c0_i32_2 = arith.constant 0 : i32
    return %c0_i32, %c0_i32_0, %arg0, %c0_i32_1 : i32, i32, i32, i32
  }
  func.func @transform_3(%arg0: i32) -> i32 {
    %c0_i32 = arith.constant 0 : i32
    %c0_i32_0 = arith.constant 0 : i32
    return %c0_i32 : i32
  }
  func.func @transform_4(%arg0: i32) -> i32 {
    %c0_i32 = arith.constant 0 : i32
    %c0_i32_0 = arith.constant 0 : i32
    return %c0_i32 : i32
  }
  func.func @transform_5(%arg0: i32) -> (i32, i32) {
    %c0_i32 = arith.constant 0 : i32
    %c0_i32_0 = arith.constant 0 : i32
    return %arg0, %c0_i32 : i32, i32
  }
}

</mosaic_0001>

<sc_bundles>
// kernel: kernel.11.cloned.1.call-start
scs
__scs_entry_jumppad:
0x0: {  	(pc) =	sbr.rel $0x88, $3  }
0x1: {  	(tag) =	ssettag $0x0;
	lr =	simm.s32 $0x1  }
0x2: {  	[smem:$0x3F94] =	sst lr;
	_ =	strace $0xD0000000  }
0x3: {  	_ = 	snop  }
0x4: {  	_ = 	snop  }
0x5: {  	_ = 	snop  }
0x6: {  	_ = 	snop  }
0x7: {  	_ = 	snop  }
__scs_overlays_trampoline_lowered:
0x8: {  	[smem:$0x3FA3] =	sst s0  }
0x9: {  	[smem:$0x3FA4] =	sst s1  }
0xa: {  	[smem:$0x3FA5] =	sst s2  }
0xb: {  	[smem:$0x3FA6] =	sst s3  }
0xc: {  	[smem:$0x3FA7] =	sst s4  }
0xd: {  	[smem:$0x3FA8] =	sst s5  }
0xe: {  	[smem:$0x3FA9] =	sst s6  }
0xf: {  	[smem:$0x3FAA] =	sst s7  }
0x10: {  	[smem:$0x3FAB] =	sst s8  }
0x11: {  	[smem:$0x3FAC] =	sst s9;
	s0 =	simm.s32 @!p0 $0x0  }
0x12: {  	s1 =	sld [smem:$0x3F92];
	s0 =	simm.s32 @p0 $0x1  }
0x13: {  	[smem:$0x3FAD] =	sst s0;
	s0 =	simm.s32 @!p1 $0x0  }
0x14: {  	s2 =	sld [smem:$0x3F91];
	s0 =	simm.s32 @p1 $0x1  }
0x15: {  	[smem:$0x3FAE] =	sst s0;
	s0 =	simm.s32 @!p2 $0x0  }
0x16: {  	s3 =	sld [smem:$0x3FDB];
	s0 =	simm.s32 @p2 $0x1  }
0x17: {  	s4 =	simm.s32 $0x1BF5;
	[smem:$0x3FB0] =	sst s0  }
0x18: {  	s0 =	sld [smem:$0x3F93];
	_ =	swait.ge [sflag:s4], $0x0  }
0x19: {  	s7 =	sld [smem:$0x3F94]  }
0x1a: {  	s8 =	sadd.s32 $0xFFFFE003, lr  }
0x1b: {  	s9 =	sadd.s32 $0xFFFFFEF7, lr;
	s5 =	simm.s32 $0xFFFFFFFF;
	p2 =	slt.u32 s8, $0xFFFFF086  }
0x1c: {  	p1 =	slt.u32 s9, $0xF7A;
	s5 =	simm.s32 @!p2 $0x0  }
0x1d: {  	s5 =	simm.s32 @p1 $0x1;
	p0 =	seq.s32 s7, s2  }
0x1e: {  	s7 =	smul.u32 @!p0 $0xF7A, s2;
	p2 =	seq.s32 @!p0 s5, $0x0  }
0x1f: {  	s9 =	smul.u32 $0xF7A, s1;
	s8 =	simm.s32 @!p0 $0x1BF5;
	p2 =	por !p2, p0  }
0x20: {  	[sflag:s8] =	ssyncset.s32 @!p0 $0xFFFFF086;
	s6 =	sadd.s32 @!p0 s3, s7;
	s7 =	simm.s32 @!p0 $0x108  }
0x21: {  	s3 =	sadd.s32 s3, s9;
	s6 =	sadd.s32 @!p0 $0x88, s6;
	s7 =	simm.s32 @p2 $0x1082  }
0x22: {  	[simem:s7], [sflag:s8] =	dma.local @!p0 [hbm:s6], $0xF7A  }
0x23: {  	s9 =	sor.u32 $0xD0000000, s2;
	s6 =	simm.s32 $0x108;
	_ =	swait.ge @!p0 [sflag:s8], $0x0  }
0x24: {  	s3 =	sadd.s32 $0x88, s3;
	s6 =	simm.s32 @!p1 $0x1082;
	[sflag:s4] =	ssyncset.s32 $0xFFFFF086  }
0x25: {  	[simem:s6], [sflag:s4] =	dma.local [hbm:s3], $0xF7A  }
0x26: {  	[smem:$0x3F94] =	sst s1;
	(tag) =	ssettag s2;
	_ =	strace s9  }
0x27: {  	s1 =	sld [smem:$0x3FA4]  }
0x28: {  	s2 =	sld [smem:$0x3FA5]  }
0x29: {  	s4 =	sld [smem:$0x3FA7]  }
0x2a: {  	p0 =	seq.s32 s5, $0x0;
	s5 =	sld [smem:$0x3FA8]  }
0x2b: {  	s6 =	sld [smem:$0x3FA9]  }
0x2c: {  	s7 =	sld [smem:$0x3FAA]  }
0x2d: {  	s3 =	simm.s32 $0x108;
	s8 =	sld [smem:$0x3FAB]  }
0x2e: {  	s3 =	simm.s32 @!p0 $0x1082;
	s9 =	sld [smem:$0x3FAC]  }
0x2f: {  	lr =	sadd.s32 s0, s3;
	s0 =	sld [smem:$0x3FA3]  }
0x30: {  	s3 =	sld [smem:$0x3FA6]  }
0x31: {  	[smem:$0x3FAF] =	sst s10  }
0x32: {  	s10 =	sld [smem:$0x3FAD];
	_ =	sdelay $0x3  }
0x33: {  	p0 =	seq.s32 s10, $0x1;
	s10 =	sld [smem:$0x3FAF];
	_ =	sdelay $0x3  }
0x34: {  	[smem:$0x3FAF] =	sst s10  }
0x35: {  	s10 =	sld [smem:$0x3FAE];
	_ =	sdelay $0x3  }
0x36: {  	p1 =	seq.s32 s10, $0x1;
	s10 =	sld [smem:$0x3FAF];
	_ =	sdelay $0x3  }
0x37: {  	[smem:$0x3FAF] =	sst s10  }
0x38: {  	s10 =	sld [smem:$0x3FB0]  }
0x39: {  	_ = 	snop;
	(pc) =	sbr.ind lr, $3  }
0x3a: {  	_ = 	snop  }
0x3b: {  	_ = 	snop  }
0x3c: {  	p2 =	seq.s32 s10, $0x1;
	s10 =	sld [smem:$0x3FAF]  }
0x3d: {  	_ =	shalt  }
0x3e: {  	_ =	shalt  }
0x3f: {  	_ =	shalt  }
0x40: {  	_ =	shalt  }
0x41: {  	_ =	shalt  }
0x42: {  	_ =	shalt  }
0x43: {  	_ =	shalt  }
0x44: {  	_ =	shalt  }
0x45: {  	_ =	shalt  }
0x46: {  	_ =	shalt  }
0x47: {  	_ =	shalt  }
0x48: {  	_ =	shalt  }
0x49: {  	_ =	shalt  }
0x4a: {  	_ =	shalt  }
0x4b: {  	_ =	shalt  }
0x4c: {  	_ =	shalt  }
0x4d: {  	_ =	shalt  }
0x4e: {  	_ =	shalt  }
0x4f: {  	_ =	shalt  }
0x50: {  	_ =	shalt  }
0x51: {  	_ =	shalt  }
0x52: {  	_ =	shalt  }
0x53: {  	_ =	shalt  }
0x54: {  	_ =	shalt  }
0x55: {  	_ =	shalt  }
0x56: {  	_ =	shalt  }
0x57: {  	_ =	shalt  }
0x58: {  	_ =	shalt  }
0x59: {  	_ =	shalt  }
0x5a: {  	_ =	shalt  }
0x5b: {  	_ =	shalt  }
0x5c: {  	_ =	shalt  }
0x5d: {  	_ =	shalt  }
0x5e: {  	_ =	shalt  }
0x5f: {  	_ =	shalt  }
0x60: {  	_ =	shalt  }
0x61: {  	_ =	shalt  }
0x62: {  	_ =	shalt  }
0x63: {  	_ =	shalt  }
0x64: {  	_ =	shalt  }
0x65: {  	_ =	shalt  }
0x66: {  	_ =	shalt  }
0x67: {  	_ =	shalt  }
0x68: {  	_ =	shalt  }
0x69: {  	_ =	shalt  }
0x6a: {  	_ =	shalt  }
0x6b: {  	_ =	shalt  }
0x6c: {  	_ =	shalt  }
0x6d: {  	_ =	shalt  }
0x6e: {  	_ =	shalt  }
0x6f: {  	_ =	shalt  }
0x70: {  	_ =	shalt  }
0x71: {  	_ =	shalt  }
0x72: {  	_ =	shalt  }
0x73: {  	_ =	shalt  }
0x74: {  	_ =	shalt  }
0x75: {  	_ =	shalt  }
0x76: {  	_ =	shalt  }
0x77: {  	_ =	shalt  }
0x78: {  	_ =	shalt  }
0x79: {  	_ =	shalt  }
0x7a: {  	_ =	shalt  }
0x7b: {  	_ =	shalt  }
0x7c: {  	_ =	shalt  }
0x7d: {  	_ =	shalt  }
0x7e: {  	_ =	shalt  }
0x7f: {  	_ =	shalt  }
0x80: {  	_ =	shalt  }
0x81: {  	_ =	shalt  }
0x82: {  	_ =	shalt  }
0x83: {  	_ =	shalt  }
0x84: {  	_ =	shalt  }
0x85: {  	_ =	shalt  }
0x86: {  	_ =	shalt  }
0x87: {  	_ =	shalt  }
.Lfunc_end0:
.L_simem_size_0:
called_computation_lowered:
.L_overlay_start_0:
0x88: {  	s2 =	sld [smem:$0x3FD9]  }
0x89: {  	s3 =	sld [smem:$0x3FFE];
	_ =	sdelay $0x1  }
0x8a: {  	s1 =	srdreg.scid  }
0x8b: {  	s0 =	sand.u32 $0x1, s1  }
0x8c: {  	s17 =	sshll.u32 s0, $0xA;
	s2 =	sadd.s32 s3, s2  }
0x8d: {  	s2 =	sadd.s32 s2, s17  }
0x8e: {  	[smem:$0x3FBB] =	sst s2  }
0x8f: {  	_ = 	snop  }
0x90: {  	s2 =	sld [smem:$0x3FD0];
	(tm) =	ssettm $0x1  }
0x91: {  	s18 =	sld [smem:$0x3FFB];
	_ =	sdelay $0x3  }
0x92: {  	_ =	strace s18  }
0x93: {  	s3 =	sld [smem:$0x3FFC];
	_ =	sdelay $0x3  }
0x94: {  	_ =	strace s3  }
0x95: {  	s3 =	sld [smem:$0x3FFD];
	_ =	sdelay $0x3  }
0x96: {  	_ =	strace s3  }
0x97: {  	_ =	strace $0x8FFFFFFF  }
0x98: {  	s19 =	sld [smem:$0x3FDB];
	_ =	sdelay $0x1  }
0x99: {  	s4 =	simm.s32 $_scs_section_size  }
0x9a: {  	s5 =	simm.s32 $_size__tile_overlayer_lowered;
	s6 =	simm.s32 $_tile_overlayer_lowered  }
0x9b: {  	s22 =	simm.s32 $0x1BFF;
	s21 =	sshll.u32 s6, $0x1;
	s3 =	sadd.s32 s4, s19  }
0x9c: {  	s7 =	simm.s32 $0x0;
	s20 =	sshll.u32 s5, $0x1;
	s5 =	sadd.s32 s21, s3  }
0x9d: {  	[timem:s7], [sflag:s22] =	dma.local [hbm:s5], s20  }
0x9e: {  	_ =	swait.ge [sflag:s22], s20  }
0x9f: {  	s4 =	ssub.s32 $0x0, s20;
	[sflag:s22] =	ssyncset.done $0x0  }
0xa0: {  	[sflag:s22] =	ssyncadd.s32 s4;
	_ =	sdelay $0x1  }
0xa1: {  	s23 =	simm.s32 $0x1B8B  }
0xa2: {  	_ =	swait.ge [sflag:s23], $0x1  }
0xa3: {  	[sflag:s23] =	ssyncset.done $0x0  }
0xa4: {  	s25 =	simm.s32 $0x1B8E;
	s24 =	sld [smem:$0x3FFE];
	[sflag:s23] =	ssyncadd.s32 $0xFFFFFFFF  }
0xa5: {  	s26 =	simm.s32 $execute0_lowered;
	[smem:$0x3FD2] =	sst s25  }
0xa6: {  	s5 =	sshll.u32 s26, $0x1;
	_ =	strace $0x80000046;
	[dreg:$0x1] =	wrdreg $0xFFFFFFFF  }
0xa7: {  	s28 =	simm.s32 $_size_execute0_lowered;
	s3 =	sadd.s32 s3, s5;
	[dreg:$0x0] =	wrdreg $0x0  }
0xa8: {  	s5 =	sshll.u32 s28, $0x1;
	[dreg:$0x2] =	wrdreg s3  }
0xa9: {  	[dreg:$0x3] =	wrdreg s5  }
0xaa: {  	[dreg:$0x4] =	wrdreg $0xC0  }
0xab: {  	_ =	task [dreg:s7], $0x5FFFF  }
0xac: {  	[dreg:$0x1] =	wrdreg $0xFFFFFFFF  }
0xad: {  	[dreg:$0x0] =	wrdreg $0x60  }
0xae: {  	[dreg:$0x2] =	wrdreg s24  }
0xaf: {  	[dreg:$0x3] =	wrdreg s2  }
0xb0: {  	[dreg:$0x4] =	wrdreg $0x94000  }
0xb1: {  	[dreg:$0x5] =	wrdreg $0x1D4000  }
0xb2: {  	[dreg:$0x6] =	wrdreg $0x9  }
0xb3: {  	_ =	task.clear_ibuf [dreg:s7], $0x7FFFF;
	_ =	strace $0x90000046  }
0xb4: {  	s29 =	simm.s32 $0x9;
	_ =	strace $0x80000048  }
0xb5: {  	_ =	swait.ge [sflag:s29], $0x1  }
0xb6: {  	[sflag:s29] =	ssyncadd.s32 $0xFFFFFFFF  }
0xb7: {  	_ =	strace $0x90000048  }
0xb8: {  	_ =	sfence  }
0xb9: {  	s30 =	sld [smem:$0x0];
	_ =	sdelay $0x2  }
0xba: {  	s31 =	sshll.u32 s1, $0xD;
	s1 =	sshrl.u32 s1, $0x2  }
0xbb: {  	s3 =	sand.u32 $0x4000, s31;
	s1 =	sadd.s32 s1, s30  }
0xbc: {  	s0 =	sor.u32 s3, s0;
	s1 =	sshll.u32 s1, $0x11  }
0xbd: {  	s0 =	sor.u32 s1, s0  }
0xbe: {  	s0 =	sadd.s32 $0x8F2B, s0  }
0xbf: {  	[sflag:s0] =	ssyncadd.remote.s32 $0x1  }
0xc0: {  	_ =	sfence.sel $0xFFFF  }
0xc1: {  	[dreg:$0x0] =	wrdreg $0xFFFFFFFF;
	(pc) =	sbr.abs _section_cstart, $3  }
0xc2: {  	[dreg:$0x1] =	wrdreg $0xFFFFFFFF  }
0xc3: {  	_ =	task.clear_ibuf [dreg:s7], $0x2FFFF;
	_ =	strace $0x9FFFFFFF  }
0xc4: {  	(tm) =	ssettm $0x7FFFFFFF  }
0xc5: {  	_ =	shalt  }
tec
execute0_lowered:
.L_overlay_start_1:
0x0: {  	(tag) =	ssettag $0x1  }
0x1: {  	s9 =	rddreg [dreg:$0x0]  }
0x2: {  	s0 =	srdreg.scid;
	s10 =	rddreg [dreg:$0x1]  }
0x3: {  	s2 =	rddreg [dreg:$0x2];
	s11 =	sand.u32 $0x1, s0  }
0x4: {  	s3 =	rddreg [dreg:$0x3];
	s7 =	smul.u32 $0x140000, s11  }
0x5: {  	s22 =	simm.s32 $0x9000;
	s0 =	stileid.u32;
	s17 =	smul.u32 $0x28000, s11  }
0x6: {  	s23 =	simm.s32 $0x1;
	s28 =	simm.s32 $0x0;
	s25 =	smul.u32 $0x50000, s0  }
0x7: {  	s5 =	sadd.s32 $0xE200, s9;
	s8 =	sshrl.u32 s0, $0x3;
	s29 =	smul.u32 $0xA000, s0  }
0x8: {  	s6 =	sadd.s32 $0x36A00, s9;
	s13 =	sand.u32 $0x7, s0;
	s14 =	smul.u32 $0xA0000, s8  }
0x9: {  	s1 =	sshll.u32 s11, $0x4;
	s11 =	ssub.s32 $0x2, s11;
	s15 =	smul.u32 $0x14000, s13  }
0xa: {  	s19 =	sshll.u32 s0, $0x6;
	s4 =	sor.u32 s0, s1;
	s18 =	smul.u32 $0x14000, s8  }
0xb: {  	s1 =	rddreg [dreg:$0x4];
	s13 =	smul.u32 $0x2800, s13;
	s8 =	sadd.s32 $0x36200, s9  }
0xc: {  	s26 =	sshrl.u32 s11, $0x1;
	s19 =	sor.u32 $0x1C03, s19;
	s12 =	smul.u32 $0x500, s4  }
0xd: {  	s4 =	simm.s32 $0x0;
	s30 =	sshrl.u32 s25, $0x2;
	s31 =	sshrl.u32 s29, $0x2  }
0xe: {  	s25 =	simm.s32 $0x4F00;
	[smem:$0x7FF] =	sst s4;
	s14 =	sadd.s32 s7, s14  }
0xf: {  	s7 =	sadd.s32 $0x36400, s9;
	s24 =	sadd.s32 s17, s18;
	s17 =	ssub.s32 s11, s26  }
0x10: {  	s20 =	sadd.s32 s30, s2;
	s21 =	sadd.s32 s31, s3;
	s18 =	simm.s32 $0x7000  }
0x11: {  	s26 =	simm.s32 $0x4F80;
	_ =	strace $0x80000047;
	s16 =	sadd.s32 s12, s9  }
0x12: {  	s14 =	sadd.s32 s15, s14;
	s13 =	sadd.s32 s13, s24;
	s15 =	simm.s32 $0x2800  }
0x13: {  	s20 =	sshrl.u32 s20, $0x3;
	s21 =	sshrl.u32 s21, $0x3;
	s14 =	sshrl.u32 s14, $0x3  }
0x14: {  	s24 =	simm.s32 $0x2;
	s13 =	sshrl.u32 s13, $0x3;
	s14 =	sadd.s32 s14, s9  }
0x15: {  	s13 =	sadd.s32 s13, s9;
	s9 =	sadd.s32 s10, s12;
	s10 =	sadd.s32 $0x4200, s16  }
0x16: {  	s16 =	simm.s32 $0x80;
	s11 =	sadd.s32 $0x43200, s14;
	s12 =	sadd.s32 $0x39200, s13  }
0x17: {  	s13 =	smax.u32 s17, $0x1;
	s14 =	simm.s32 $0x3;
	s17 =	simm.s32 $0x5000  }
.LBB2_1:
0x18: {  	[tilespmem:s4], [sflag:$0x3] =	stream.linear.gather [hbm4b:s9+s4], $0x2800, $0x38;
	[tilespmem:$0x1FC00] =	vst v63  }
0x19: {  	_ =	swait.ge [sflag:s14], $0x2800  }
0x1a: {  	[sflag:s14] =	ssyncset.done $0x0  }
0x1b: {  	[sflag:s14] =	ssyncadd.s32 $0xFFFFD800  }
0x1c: {  	[tilespmem:s15], [sflag:$0x3] =	stream.linear.gather [hbm4b:s10+s4], $0x2800, $0x38;
	[tilespmem:$0x1FC00] =	vst v63  }
0x1d: {  	_ =	swait.ge [sflag:s14], $0x2800  }
0x1e: {  	[sflag:s14] =	ssyncset.done $0x0  }
0x1f: {  	[sflag:s14] =	ssyncadd.s32 $0xFFFFD800  }
0x20: {  	[tilespmem:s17], [sflag:$0x1] =	stream.indirect.gather [hbm4b:s5+s16], $0x40, s4, s16, $0xb8;
	[tilespmem:$0x1FC00] =	vst v63  }
0x21: {  	_ = 	snop  }
0x22: {  	[tilespmem:s18], [sflag:$0x2] =	stream.indirect.gather [hbm4b:s5+s16], $0x40, s16, s16, $0xb8;
	[tilespmem:$0x1FC00] =	vst v63  }
0x23: {  	[spmem:s20], [sflag:s19] =	dma.local [hbm:s6], $0x2800  }
0x24: {  	_ =	swait.ge [sflag:s14], $0x2800  }
0x25: {  	[sflag:s14] =	ssyncset.done $0x0  }
0x26: {  	[sflag:s14] =	ssyncadd.s32 $0xFFFFD800  }
0x27: {  	[spmem:s21], [sflag:s19] =	dma.local [hbm:s7], $0x500  }
0x28: {  	_ =	swait.ge [sflag:s14], $0x500  }
0x29: {  	[sflag:s14] =	ssyncset.done $0x0  }
0x2a: {  	[sflag:s14] =	ssyncadd.s32 $0xFFFFFB00  }
0x2b: {  	[tilespmem:s22], [sflag:$0x3] =	stream.linear.gather [hbm4b:s8+s4], $0x400, $0x38;
	[tilespmem:$0x1FC00] =	vst v63  }
0x2c: {  	_ =	swait.ge [sflag:s14], $0x400  }
0x2d: {  	[sflag:s14] =	ssyncset.done $0x0  }
0x2e: {  	[sflag:s14] =	ssyncadd.s32 $0xFFFFFC00  }
0x2f: {  	[bflag:$0x0] =	sbarrier.arrive $0xFFFF  }
0x30: {  	_ =	swait.ge [sflag:s23], $0x2000  }
0x31: {  	[sflag:s23] =	ssyncset.done $0x0  }
0x32: {  	s29 =	simm.s32 $0x2800;
	[sflag:s23] =	ssyncadd.s32 $0xFFFFE000  }
0x33: {  	[spmem:s2] =	stream.indirect.scatter.add.f32 [tilespmem:s17], [sflag:$0x3], $0x40, s29, s16, $0xb8;
	[tilespmem:$0x1FC00] =	vst v63  }
0x34: {  	_ =	swait.ge [sflag:s14], $0x2000  }
0x35: {  	[sflag:s14] =	ssyncset.done $0x0  }
0x36: {  	[sflag:s14] =	ssyncadd.s32 $0xFFFFE000  }
0x37: {  	[spmem:s3] =	stream.indirect.scatter.add.f32 [tilespmem:s22], [sflag:$0x3], $0x8, s29, s16, $0xb8;
	[tilespmem:$0x1FC00] =	vst v63  }
0x38: {  	_ =	swait.ge [sflag:s14], $0x400  }
0x39: {  	[sflag:s14] =	ssyncset.done $0x0  }
0x3a: {  	s29 =	simm.s32 $0x100;
	[sflag:s14] =	ssyncadd.s32 $0xFFFFFC00  }
0x3b: {  	[tilespmem:s17], [sflag:$0x1] =	stream.indirect.gather [hbm4b:s5+s16], $0x40, s29, s16, $0xb8;
	[tilespmem:$0x1FC00] =	vst v63  }
0x3c: {  	_ =	swait.ge [sflag:s24], $0x2000  }
0x3d: {  	[sflag:s24] =	ssyncset.done $0x0  }
0x3e: {  	s29 =	simm.s32 $0x2880;
	[sflag:s24] =	ssyncadd.s32 $0xFFFFE000  }
0x3f: {  	[spmem:s2] =	stream.indirect.scatter.add.f32 [tilespmem:s18], [sflag:$0x3], $0x40, s29, s16, $0xb8;
	[tilespmem:$0x1FC00] =	vst v63  }
0x40: {  	_ =	swait.ge [sflag:s14], $0x2000  }
0x41: {  	[sflag:s14] =	ssyncset.done $0x0  }
0x42: {  	[sflag:s14] =	ssyncadd.s32 $0xFFFFE000  }
0x43: {  	[spmem:s3] =	stream.indirect.scatter.add.f32 [tilespmem:s22], [sflag:$0x3], $0x8, s29, s16, $0xb8;
	[tilespmem:$0x1FC00] =	vst v63  }
0x44: {  	_ =	swait.ge [sflag:s14], $0x400  }
0x45: {  	[sflag:s14] =	ssyncset.done $0x0  }
0x46: {  	s30 =	simm.s32 $0x180;
	s29 =	simm.s32 $0x400;
	[sflag:s14] =	ssyncadd.s32 $0xFFFFFC00  }
.LBB2_2:
0x47: {  	[tilespmem:s18], [sflag:$0x2] =	stream.indirect.gather [hbm4b:s5+s16], $0x40, s30, s16, $0xb8;
	[tilespmem:$0x1FC00] =	vst v63  }
0x48: {  	s30 =	smov.u32 s29  }
0x49: {  	p0 =	sne.s32 s29, $0x9800;
	s29 =	sadd.s32 $0x400, s29;
	_ =	swait.ge [sflag:s23], $0x2000  }
0x4a: {  	s30 =	sshra.s32 s30, $0x2;
	[sflag:s23] =	ssyncset.done $0x0  }
0x4b: {  	s31 =	sadd.s32 $0x2800, s30;
	[sflag:s23] =	ssyncadd.s32 $0xFFFFE000  }
0x4c: {  	[spmem:s2] =	stream.indirect.scatter.add.f32 [tilespmem:s17], [sflag:$0x3], $0x40, s31, s16, $0xb8;
	[tilespmem:$0x1FC00] =	vst v63  }
0x4d: {  	_ =	swait.ge [sflag:s14], $0x2000  }
0x4e: {  	[sflag:s14] =	ssyncset.done $0x0  }
0x4f: {  	[sflag:s14] =	ssyncadd.s32 $0xFFFFE000  }
0x50: {  	[spmem:s3] =	stream.indirect.scatter.add.f32 [tilespmem:s22], [sflag:$0x3], $0x8, s31, s16, $0xb8;
	[tilespmem:$0x1FC00] =	vst v63  }
0x51: {  	_ =	swait.ge [sflag:s14], $0x400  }
0x52: {  	[sflag:s14] =	ssyncset.done $0x0  }
0x53: {  	s31 =	sadd.s32 $0x100, s30;
	[sflag:s14] =	ssyncadd.s32 $0xFFFFFC00  }
0x54: {  	[tilespmem:s17], [sflag:$0x1] =	stream.indirect.gather [hbm4b:s5+s16], $0x40, s31, s16, $0xb8;
	[tilespmem:$0x1FC00] =	vst v63  }
0x55: {  	_ =	swait.ge [sflag:s24], $0x2000  }
0x56: {  	[sflag:s24] =	ssyncset.done $0x0  }
0x57: {  	s31 =	sadd.s32 $0x2880, s30;
	[sflag:s24] =	ssyncadd.s32 $0xFFFFE000  }
0x58: {  	[spmem:s2] =	stream.indirect.scatter.add.f32 [tilespmem:s18], [sflag:$0x3], $0x40, s31, s16, $0xb8;
	[tilespmem:$0x1FC00] =	vst v63  }
0x59: {  	_ =	swait.ge [sflag:s14], $0x2000  }
0x5a: {  	[sflag:s14] =	ssyncset.done $0x0  }
.Ltmp0:
0x5b: {  	[sflag:s14] =	ssyncadd.s32 $0xFFFFE000;
	(pc) =	sbr.rel @p0 .LBB2_2-.Ltmp0, $4  }
0x5c: {  	[spmem:s3] =	stream.indirect.scatter.add.f32 [tilespmem:s22], [sflag:$0x3], $0x8, s31, s16, $0xb8;
	[tilespmem:$0x1FC00] =	vst v63  }
0x5d: {  	_ =	swait.ge [sflag:s14], $0x400  }
0x5e: {  	[sflag:s14] =	ssyncset.done $0x0  }
0x5f: {  	s30 =	sadd.s32 $0x180, s30;
	[sflag:s14] =	ssyncadd.s32 $0xFFFFFC00  }
0x60: {  	[tilespmem:s18], [sflag:$0x2] =	stream.indirect.gather [hbm4b:s5+s16], $0x40, s30, s16, $0xb8;
	[tilespmem:$0x1FC00] =	vst v63  }
0x61: {  	_ =	swait.ge [sflag:s23], $0x2000  }
0x62: {  	[sflag:s23] =	ssyncset.done $0x0  }
0x63: {  	[sflag:s23] =	ssyncadd.s32 $0xFFFFE000  }
0x64: {  	[spmem:s2] =	stream.indirect.scatter.add.f32 [tilespmem:s17], [sflag:$0x3], $0x40, s25, s16, $0xb8;
	[tilespmem:$0x1FC00] =	vst v63  }
0x65: {  	_ =	swait.ge [sflag:s14], $0x2000  }
0x66: {  	[sflag:s14] =	ssyncset.done $0x0  }
0x67: {  	[sflag:s14] =	ssyncadd.s32 $0xFFFFE000  }
0x68: {  	[spmem:s3] =	stream.indirect.scatter.add.f32 [tilespmem:s22], [sflag:$0x3], $0x8, s25, s16, $0xb8;
	[tilespmem:$0x1FC00] =	vst v63  }
0x69: {  	_ =	swait.ge [sflag:s14], $0x400  }
0x6a: {  	[sflag:s14] =	ssyncset.done $0x0  }
0x6b: {  	[sflag:s14] =	ssyncadd.s32 $0xFFFFFC00  }
0x6c: {  	_ =	swait.ge [sflag:s24], $0x2000  }
0x6d: {  	[sflag:s24] =	ssyncset.done $0x0  }
0x6e: {  	[sflag:s24] =	ssyncadd.s32 $0xFFFFE000  }
0x6f: {  	[spmem:s2] =	stream.indirect.scatter.add.f32 [tilespmem:s18], [sflag:$0x3], $0x40, s26, s16, $0xb8;
	[tilespmem:$0x1FC00] =	vst v63  }
0x70: {  	_ =	swait.ge [sflag:s14], $0x2000  }
0x71: {  	[sflag:s14] =	ssyncset.done $0x0  }
0x72: {  	[sflag:s14] =	ssyncadd.s32 $0xFFFFE000  }
0x73: {  	[spmem:s3] =	stream.indirect.scatter.add.f32 [tilespmem:s22], [sflag:$0x3], $0x8, s26, s16, $0xb8;
	[tilespmem:$0x1FC00] =	vst v63  }
0x74: {  	_ =	swait.ge [sflag:s14], $0x400  }
0x75: {  	[sflag:s14] =	ssyncset.done $0x0  }
0x76: {  	[sflag:s14] =	ssyncadd.s32 $0xFFFFFC00  }
0x77: {  	[bflag:$0x0] =	sbarrier.arrive $0xFFFF  }
0x78: {  	[hbm:s11], [sflag:s19] =	dma.local [spmem:s20], $0x2800  }
0x79: {  	s28 =	sadd.s32 $0x1, s28;
	_ =	swait.ge [sflag:s14], $0x2800  }
0x7a: {  	p0 =	sne.s32 s28, s13;
	[sflag:s14] =	ssyncset.done $0x0  }
.Ltmp1:
0x7b: {  	[sflag:s14] =	ssyncadd.s32 $0xFFFFD800;
	(pc) =	sbr.rel @p0 .LBB2_1-.Ltmp1, $4  }
0x7c: {  	[hbm:s12], [sflag:s19] =	dma.local [spmem:s21], $0x500  }
0x7d: {  	_ =	swait.ge [sflag:s14], $0x500  }
0x7e: {  	[sflag:s14] =	ssyncset.done $0x0  }
0x7f: {  	[sflag:s14] =	ssyncadd.s32 $0xFFFFFB00  }
0x80: {  	_ =	sfence.sel $0x180000  }
0x81: {  	[bflag:$0x0] =	sbarrier.arrive $0xFFFF  }
0x82: {  	p0 =	sne.s32 s0, $0x0;
	_ =	strace $0x90000047  }
0x83: {  	s0 =	sadd.s32 @!p0 $0x100000, s1;
	[bflag:$0x2] =	sbarrier.arrive $0xFFFF  }
0x84: {  	[sflag:s0] =	ssyncadd.tile.s32 @!p0 $0x1;
	_ =	shalt  }
.Lfunc_end2:
_tile_overlayer_lowered:
.L_overlay_start_2:
0x85: {  	(tag) =	ssettag $0x2  }
0x86: {  	s0 =	rddreg [dreg:$0x0];
	s2 =	stileid.u32  }
0x87: {  	s1 =	rddreg [dreg:$0x1];
	p0 =	sne.s32 s2, $0x0  }
0x88: {  	s3 =	rddreg [dreg:$0x2];
	[bflag:$0x3] =	sbarrier.arrive $0xFFFF;
	s2 =	simm.s32 @!p0 $0x1C03  }
0x89: {  	[timem:s3], [sflag:s2] =	dma.local @!p0 [hbm:s0], s1  }
0x8a: {  	s0 =	simm.s32 @!p0 $0x3  }
0x8b: {  	_ =	swait.ge @!p0 [sflag:s0], s1  }
0x8c: {  	s1 =	ssub.s32 @!p0 $0x0, s1;
	[sflag:s0] =	ssyncset.done @!p0 $0x0  }
0x8d: {  	[sflag:s0] =	ssyncadd.s32 @!p0 s1  }
0x8e: {  	[bflag:$0x3] =	sbarrier.arrive $0xFFFF  }
0x8f: {  	_ =	shalt  }

// kernel: kernel.14.cloned.1.call-start
scs
__scs_entry_jumppad:
0x0: {  	(pc) =	sbr.rel $0x88, $3  }
0x1: {  	(tag) =	ssettag $0x0;
	lr =	simm.s32 $0x1  }
0x2: {  	[smem:$0x3F94] =	sst lr;
	_ =	strace $0xD0000000  }
0x3: {  	_ = 	snop  }
0x4: {  	_ = 	snop  }
0x5: {  	_ = 	snop  }
0x6: {  	_ = 	snop  }
0x7: {  	_ = 	snop  }
__scs_overlays_trampoline_lowered:
0x8: {  	[smem:$0x3FA3] =	sst s0  }
0x9: {  	[smem:$0x3FA4] =	sst s1  }
0xa: {  	[smem:$0x3FA5] =	sst s2  }
0xb: {  	[smem:$0x3FA6] =	sst s3  }
0xc: {  	[smem:$0x3FA7] =	sst s4  }
0xd: {  	[smem:$0x3FA8] =	sst s5  }
0xe: {  	[smem:$0x3FA9] =	sst s6  }
0xf: {  	[smem:$0x3FAA] =	sst s7  }
0x10: {  	[smem:$0x3FAB] =	sst s8  }
0x11: {  	[smem:$0x3FAC] =	sst s9;
	s0 =	simm.s32 @!p0 $0x0  }
0x12: {  	s1 =	sld [smem:$0x3F92];
	s0 =	simm.s32 @p0 $0x1  }
0x13: {  	[smem:$0x3FAD] =	sst s0;
	s0 =	simm.s32 @!p1 $0x0  }
0x14: {  	s2 =	sld [smem:$0x3F91];
	s0 =	simm.s32 @p1 $0x1  }
0x15: {  	[smem:$0x3FAE] =	sst s0;
	s0 =	simm.s32 @!p2 $0x0  }
0x16: {  	s3 =	sld [smem:$0x3FDB];
	s0 =	simm.s32 @p2 $0x1  }
0x17: {  	s4 =	simm.s32 $0x1BF5;
	[smem:$0x3FB0] =	sst s0  }
0x18: {  	s0 =	sld [smem:$0x3F93];
	_ =	swait.ge [sflag:s4], $0x0  }
0x19: {  	s7 =	sld [smem:$0x3F94]  }
0x1a: {  	s8 =	sadd.s32 $0xFFFFE003, lr  }
0x1b: {  	s9 =	sadd.s32 $0xFFFFFEF7, lr;
	s5 =	simm.s32 $0xFFFFFFFF;
	p2 =	slt.u32 s8, $0xFFFFF086  }
0x1c: {  	p1 =	slt.u32 s9, $0xF7A;
	s5 =	simm.s32 @!p2 $0x0  }
0x1d: {  	s5 =	simm.s32 @p1 $0x1;
	p0 =	seq.s32 s7, s2  }
0x1e: {  	s7 =	smul.u32 @!p0 $0xF7A, s2;
	p2 =	seq.s32 @!p0 s5, $0x0  }
0x1f: {  	s9 =	smul.u32 $0xF7A, s1;
	s8 =	simm.s32 @!p0 $0x1BF5;
	p2 =	por !p2, p0  }
0x20: {  	[sflag:s8] =	ssyncset.s32 @!p0 $0xFFFFF086;
	s6 =	sadd.s32 @!p0 s3, s7;
	s7 =	simm.s32 @!p0 $0x108  }
0x21: {  	s3 =	sadd.s32 s3, s9;
	s6 =	sadd.s32 @!p0 $0x88, s6;
	s7 =	simm.s32 @p2 $0x1082  }
0x22: {  	[simem:s7], [sflag:s8] =	dma.local @!p0 [hbm:s6], $0xF7A  }
0x23: {  	s9 =	sor.u32 $0xD0000000, s2;
	s6 =	simm.s32 $0x108;
	_ =	swait.ge @!p0 [sflag:s8], $0x0  }
0x24: {  	s3 =	sadd.s32 $0x88, s3;
	s6 =	simm.s32 @!p1 $0x1082;
	[sflag:s4] =	ssyncset.s32 $0xFFFFF086  }
0x25: {  	[simem:s6], [sflag:s4] =	dma.local [hbm:s3], $0xF7A  }
0x26: {  	[smem:$0x3F94] =	sst s1;
	(tag) =	ssettag s2;
	_ =	strace s9  }
0x27: {  	s1 =	sld [smem:$0x3FA4]  }
0x28: {  	s2 =	sld [smem:$0x3FA5]  }
0x29: {  	s4 =	sld [smem:$0x3FA7]  }
0x2a: {  	p0 =	seq.s32 s5, $0x0;
	s5 =	sld [smem:$0x3FA8]  }
0x2b: {  	s6 =	sld [smem:$0x3FA9]  }
0x2c: {  	s7 =	sld [smem:$0x3FAA]  }
0x2d: {  	s3 =	simm.s32 $0x108;
	s8 =	sld [smem:$0x3FAB]  }
0x2e: {  	s3 =	simm.s32 @!p0 $0x1082;
	s9 =	sld [smem:$0x3FAC]  }
0x2f: {  	lr =	sadd.s32 s0, s3;
	s0 =	sld [smem:$0x3FA3]  }
0x30: {  	s3 =	sld [smem:$0x3FA6]  }
0x31: {  	[smem:$0x3FAF] =	sst s10  }
0x32: {  	s10 =	sld [smem:$0x3FAD];
	_ =	sdelay $0x3  }
0x33: {  	p0 =	seq.s32 s10, $0x1;
	s10 =	sld [smem:$0x3FAF];
	_ =	sdelay $0x3  }
0x34: {  	[smem:$0x3FAF] =	sst s10  }
0x35: {  	s10 =	sld [smem:$0x3FAE];
	_ =	sdelay $0x3  }
0x36: {  	p1 =	seq.s32 s10, $0x1;
	s10 =	sld [smem:$0x3FAF];
	_ =	sdelay $0x3  }
0x37: {  	[smem:$0x3FAF] =	sst s10  }
0x38: {  	s10 =	sld [smem:$0x3FB0]  }
0x39: {  	_ = 	snop;
	(pc) =	sbr.ind lr, $3  }
0x3a: {  	_ = 	snop  }
0x3b: {  	_ = 	snop  }
0x3c: {  	p2 =	seq.s32 s10, $0x1;
	s10 =	sld [smem:$0x3FAF]  }
0x3d: {  	_ =	shalt  }
0x3e: {  	_ =	shalt  }
0x3f: {  	_ =	shalt  }
0x40: {  	_ =	shalt  }
0x41: {  	_ =	shalt  }
0x42: {  	_ =	shalt  }
0x43: {  	_ =	shalt  }
0x44: {  	_ =	shalt  }
0x45: {  	_ =	shalt  }
0x46: {  	_ =	shalt  }
0x47: {  	_ =	shalt  }
0x48: {  	_ =	shalt  }
0x49: {  	_ =	shalt  }
0x4a: {  	_ =	shalt  }
0x4b: {  	_ =	shalt  }
0x4c: {  	_ =	shalt  }
0x4d: {  	_ =	shalt  }
0x4e: {  	_ =	shalt  }
0x4f: {  	_ =	shalt  }
0x50: {  	_ =	shalt  }
0x51: {  	_ =	shalt  }
0x52: {  	_ =	shalt  }
0x53: {  	_ =	shalt  }
0x54: {  	_ =	shalt  }
0x55: {  	_ =	shalt  }
0x56: {  	_ =	shalt  }
0x57: {  	_ =	shalt  }
0x58: {  	_ =	shalt  }
0x59: {  	_ =	shalt  }
0x5a: {  	_ =	shalt  }
0x5b: {  	_ =	shalt  }
0x5c: {  	_ =	shalt  }
0x5d: {  	_ =	shalt  }
0x5e: {  	_ =	shalt  }
0x5f: {  	_ =	shalt  }
0x60: {  	_ =	shalt  }
0x61: {  	_ =	shalt  }
0x62: {  	_ =	shalt  }
0x63: {  	_ =	shalt  }
0x64: {  	_ =	shalt  }
0x65: {  	_ =	shalt  }
0x66: {  	_ =	shalt  }
0x67: {  	_ =	shalt  }
0x68: {  	_ =	shalt  }
0x69: {  	_ =	shalt  }
0x6a: {  	_ =	shalt  }
0x6b: {  	_ =	shalt  }
0x6c: {  	_ =	shalt  }
0x6d: {  	_ =	shalt  }
0x6e: {  	_ =	shalt  }
0x6f: {  	_ =	shalt  }
0x70: {  	_ =	shalt  }
0x71: {  	_ =	shalt  }
0x72: {  	_ =	shalt  }
0x73: {  	_ =	shalt  }
0x74: {  	_ =	shalt  }
0x75: {  	_ =	shalt  }
0x76: {  	_ =	shalt  }
0x77: {  	_ =	shalt  }
0x78: {  	_ =	shalt  }
0x79: {  	_ =	shalt  }
0x7a: {  	_ =	shalt  }
0x7b: {  	_ =	shalt  }
0x7c: {  	_ =	shalt  }
0x7d: {  	_ =	shalt  }
0x7e: {  	_ =	shalt  }
0x7f: {  	_ =	shalt  }
0x80: {  	_ =	shalt  }
0x81: {  	_ =	shalt  }
0x82: {  	_ =	shalt  }
0x83: {  	_ =	shalt  }
0x84: {  	_ =	shalt  }
0x85: {  	_ =	shalt  }
0x86: {  	_ =	shalt  }
0x87: {  	_ =	shalt  }
.Lfunc_end0:
.L_simem_size_0:
called_computation.1_lowered:
.L_overlay_start_0:
0x88: {  	s2 =	sld [smem:$0x3FD9]  }
0x89: {  	s3 =	sld [smem:$0x3FFE];
	_ =	sdelay $0x1  }
0x8a: {  	s1 =	srdreg.scid  }
0x8b: {  	s0 =	sand.u32 $0x1, s1  }
0x8c: {  	s17 =	sshll.u32 s0, $0xA;
	s2 =	sadd.s32 s3, s2  }
0x8d: {  	s2 =	sadd.s32 s2, s17  }
0x8e: {  	[smem:$0x3FBB] =	sst s2  }
0x8f: {  	_ = 	snop  }
0x90: {  	s2 =	sld [smem:$0x3FD0];
	(tm) =	ssettm $0x1  }
0x91: {  	s18 =	sld [smem:$0x3FFB];
	_ =	sdelay $0x3  }
0x92: {  	_ =	strace s18  }
0x93: {  	s3 =	sld [smem:$0x3FFC];
	_ =	sdelay $0x3  }
0x94: {  	_ =	strace s3  }
0x95: {  	s3 =	sld [smem:$0x3FFD];
	_ =	sdelay $0x3  }
0x96: {  	_ =	strace s3  }
0x97: {  	_ =	strace $0x8FFFFFFF  }
0x98: {  	s19 =	sld [smem:$0x3FDB];
	_ =	sdelay $0x1  }
0x99: {  	s4 =	simm.s32 $_scs_section_size  }
0x9a: {  	s5 =	simm.s32 $_size__tile_overlayer_lowered;
	s6 =	simm.s32 $_tile_overlayer_lowered  }
0x9b: {  	s22 =	simm.s32 $0x1BFF;
	s21 =	sshll.u32 s6, $0x1;
	s3 =	sadd.s32 s4, s19  }
0x9c: {  	s7 =	simm.s32 $0x0;
	s20 =	sshll.u32 s5, $0x1;
	s5 =	sadd.s32 s21, s3  }
0x9d: {  	[timem:s7], [sflag:s22] =	dma.local [hbm:s5], s20  }
0x9e: {  	_ =	swait.ge [sflag:s22], s20  }
0x9f: {  	s4 =	ssub.s32 $0x0, s20;
	[sflag:s22] =	ssyncset.done $0x0  }
0xa0: {  	[sflag:s22] =	ssyncadd.s32 s4;
	_ =	sdelay $0x1  }
0xa1: {  	s23 =	simm.s32 $0x1B8B  }
0xa2: {  	_ =	swait.ge [sflag:s23], $0x1  }
0xa3: {  	[sflag:s23] =	ssyncset.done $0x0  }
0xa4: {  	s25 =	simm.s32 $0x1B8E;
	s24 =	sld [smem:$0x3FFE];
	[sflag:s23] =	ssyncadd.s32 $0xFFFFFFFF  }
0xa5: {  	s26 =	simm.s32 $execute0_lowered;
	[smem:$0x3FD2] =	sst s25  }
0xa6: {  	s5 =	sshll.u32 s26, $0x1;
	_ =	strace $0x80000049;
	[dreg:$0x1] =	wrdreg $0xFFFFFFFF  }
0xa7: {  	s28 =	simm.s32 $_size_execute0_lowered;
	s3 =	sadd.s32 s3, s5;
	[dreg:$0x0] =	wrdreg $0x0  }
0xa8: {  	s5 =	sshll.u32 s28, $0x1;
	[dreg:$0x2] =	wrdreg s3  }
0xa9: {  	[dreg:$0x3] =	wrdreg s5  }
0xaa: {  	[dreg:$0x4] =	wrdreg $0xC0  }
0xab: {  	_ =	task [dreg:s7], $0x5FFFF  }
0xac: {  	[dreg:$0x1] =	wrdreg $0xFFFFFFFF  }
0xad: {  	[dreg:$0x0] =	wrdreg $0x60  }
0xae: {  	[dreg:$0x2] =	wrdreg s24  }
0xaf: {  	[dreg:$0x3] =	wrdreg s2  }
0xb0: {  	[dreg:$0x4] =	wrdreg $0x90000  }
0xb1: {  	[dreg:$0x5] =	wrdreg $0x9  }
0xb2: {  	_ =	task.clear_ibuf [dreg:s7], $0x6FFFF;
	_ =	strace $0x90000049  }
0xb3: {  	s29 =	simm.s32 $0x9;
	_ =	strace $0x8000004B  }
0xb4: {  	_ =	swait.ge [sflag:s29], $0x1  }
0xb5: {  	[sflag:s29] =	ssyncadd.s32 $0xFFFFFFFF  }
0xb6: {  	_ =	strace $0x9000004B  }
0xb7: {  	_ =	sfence  }
0xb8: {  	s30 =	sld [smem:$0x0];
	_ =	sdelay $0x2  }
0xb9: {  	s31 =	sshll.u32 s1, $0xD;
	s1 =	sshrl.u32 s1, $0x2  }
0xba: {  	s3 =	sand.u32 $0x4000, s31;
	s1 =	sadd.s32 s1, s30  }
0xbb: {  	s0 =	sor.u32 s3, s0;
	s1 =	sshll.u32 s1, $0x11  }
0xbc: {  	s0 =	sor.u32 s1, s0  }
0xbd: {  	s0 =	sadd.s32 $0x8F2B, s0  }
0xbe: {  	[sflag:s0] =	ssyncadd.remote.s32 $0x1  }
0xbf: {  	_ =	sfence.sel $0xFFFF  }
0xc0: {  	[dreg:$0x0] =	wrdreg $0xFFFFFFFF;
	(pc) =	sbr.abs _section_cstart, $3  }
0xc1: {  	[dreg:$0x1] =	wrdreg $0xFFFFFFFF  }
0xc2: {  	_ =	task.clear_ibuf [dreg:s7], $0x2FFFF;
	_ =	strace $0x9FFFFFFF  }
0xc3: {  	(tm) =	ssettm $0x7FFFFFFF  }
tec
execute0_lowered:
.L_overlay_start_1:
0x0: {  	(tag) =	ssettag $0x1  }
0x1: {  	s6 =	rddreg [dreg:$0x0]  }
0x2: {  	s0 =	srdreg.scid;
	s7 =	rddreg [dreg:$0x1]  }
0x3: {  	s2 =	rddreg [dreg:$0x2];
	s14 =	simm.s32 $0x7000;
	s17 =	simm.s32 $0x1  }
0x4: {  	s18 =	simm.s32 $0x2;
	s19 =	simm.s32 $0x4F00;
	s20 =	simm.s32 $0x4F80  }
0x5: {  	s21 =	simm.s32 $0x0;
	s5 =	sand.u32 $0x1, s0;
	s0 =	stileid.u32  }
0x6: {  	s1 =	sshll.u32 s5, $0x4;
	s9 =	smul.u32 $0x140000, s5;
	s4 =	sshrl.u32 s0, $0x3  }
0x7: {  	s10 =	sand.u32 $0x7, s0;
	s30 =	ssub.s32 $0x2, s5;
	s31 =	smul.u32 $0x50000, s0  }
0x8: {  	s5 =	sadd.s32 $0x36A00, s6;
	s15 =	sshll.u32 s0, $0x6;
	s11 =	smul.u32 $0xA0000, s4  }
0x9: {  	s3 =	sor.u32 s0, s1;
	s1 =	rddreg [dreg:$0x3];
	s10 =	smul.u32 $0x14000, s10  }
0xa: {  	s4 =	sadd.s32 $0xE200, s6;
	s8 =	smul.u32 $0x500, s3;
	s3 =	simm.s32 $0x0  }
0xb: {  	s13 =	sshrl.u32 s30, $0x1;
	s15 =	sor.u32 $0x1C03, s15;
	[smem:$0x7FF] =	sst s3  }
0xc: {  	s9 =	sadd.s32 s9, s11;
	s11 =	sshrl.u32 s31, $0x2;
	_ =	strace $0x8000004A  }
0xd: {  	s12 =	sadd.s32 s8, s6;
	s9 =	sadd.s32 s10, s9;
	s10 =	ssub.s32 s30, s13  }
0xe: {  	s16 =	sadd.s32 s11, s2;
	s11 =	simm.s32 $0x2800;
	s9 =	sshrl.u32 s9, $0x3  }
0xf: {  	s13 =	simm.s32 $0x5000;
	s16 =	sshrl.u32 s16, $0x3;
	s9 =	sadd.s32 s9, s6  }
0x10: {  	s6 =	sadd.s32 s7, s8;
	s7 =	sadd.s32 $0x4200, s12;
	s12 =	simm.s32 $0x80  }
0x11: {  	s8 =	sadd.s32 $0x39200, s9;
	s9 =	smax.u32 s10, $0x1;
	s10 =	simm.s32 $0x3  }
.LBB2_1:
0x12: {  	[tilespmem:s3], [sflag:$0x3] =	stream.linear.gather [hbm4b:s6+s3], $0x2800, $0x38;
	[tilespmem:$0x1D000] =	vst v63  }
0x13: {  	_ =	swait.ge [sflag:s10], $0x2800  }
0x14: {  	[sflag:s10] =	ssyncset.done $0x0  }
0x15: {  	[sflag:s10] =	ssyncadd.s32 $0xFFFFD800  }
0x16: {  	[tilespmem:s11], [sflag:$0x3] =	stream.linear.gather [hbm4b:s7+s3], $0x2800, $0x38;
	[tilespmem:$0x1D000] =	vst v63  }
0x17: {  	_ =	swait.ge [sflag:s10], $0x2800  }
0x18: {  	[sflag:s10] =	ssyncset.done $0x0  }
0x19: {  	[sflag:s10] =	ssyncadd.s32 $0xFFFFD800  }
0x1a: {  	[tilespmem:s13], [sflag:$0x1] =	stream.indirect.gather [hbm4b:s4+s12], $0x40, s3, s12, $0xb8;
	[tilespmem:$0x1D000] =	vst v63  }
0x1b: {  	_ = 	snop  }
0x1c: {  	[tilespmem:s14], [sflag:$0x2] =	stream.indirect.gather [hbm4b:s4+s12], $0x40, s12, s12, $0xb8;
	[tilespmem:$0x1D000] =	vst v63  }
0x1d: {  	[spmem:s16], [sflag:s15] =	dma.local [hbm:s5], $0x2800  }
0x1e: {  	_ =	swait.ge [sflag:s10], $0x2800  }
0x1f: {  	[sflag:s10] =	ssyncset.done $0x0  }
0x20: {  	[sflag:s10] =	ssyncadd.s32 $0xFFFFD800  }
0x21: {  	[bflag:$0x0] =	sbarrier.arrive $0xFFFF  }
0x22: {  	_ =	swait.ge [sflag:s17], $0x2000  }
0x23: {  	[sflag:s17] =	ssyncset.done $0x0  }
0x24: {  	s22 =	simm.s32 $0x2800;
	[sflag:s17] =	ssyncadd.s32 $0xFFFFE000  }
0x25: {  	[spmem:s2] =	stream.indirect.scatter.add.f32 [tilespmem:s13], [sflag:$0x3], $0x40, s22, s12, $0xb8;
	[tilespmem:$0x1D000] =	vst v63  }
0x26: {  	_ =	swait.ge [sflag:s10], $0x2000  }
0x27: {  	[sflag:s10] =	ssyncset.done $0x0  }
0x28: {  	s30 =	simm.s32 $0x100;
	[sflag:s10] =	ssyncadd.s32 $0xFFFFE000  }
0x29: {  	[tilespmem:s13], [sflag:$0x1] =	stream.indirect.gather [hbm4b:s4+s12], $0x40, s30, s12, $0xb8;
	[tilespmem:$0x1D000] =	vst v63  }
0x2a: {  	_ =	swait.ge [sflag:s18], $0x2000  }
0x2b: {  	[sflag:s18] =	ssyncset.done $0x0  }
0x2c: {  	s31 =	simm.s32 $0x2880;
	[sflag:s18] =	ssyncadd.s32 $0xFFFFE000  }
0x2d: {  	[spmem:s2] =	stream.indirect.scatter.add.f32 [tilespmem:s14], [sflag:$0x3], $0x40, s31, s12, $0xb8;
	[tilespmem:$0x1D000] =	vst v63  }
0x2e: {  	_ =	swait.ge [sflag:s10], $0x2000  }
0x2f: {  	[sflag:s10] =	ssyncset.done $0x0  }
0x30: {  	s23 =	simm.s32 $0x180;
	s22 =	simm.s32 $0x400;
	[sflag:s10] =	ssyncadd.s32 $0xFFFFE000  }
.LBB2_2:
0x31: {  	[tilespmem:s14], [sflag:$0x2] =	stream.indirect.gather [hbm4b:s4+s12], $0x40, s23, s12, $0xb8;
	[tilespmem:$0x1D000] =	vst v63  }
0x32: {  	s23 =	smov.u32 s22  }
0x33: {  	p0 =	sne.s32 s22, $0x9800;
	s22 =	sadd.s32 $0x400, s22;
	_ =	swait.ge [sflag:s17], $0x2000  }
0x34: {  	s23 =	sshra.s32 s23, $0x2;
	[sflag:s17] =	ssyncset.done $0x0  }
0x35: {  	s24 =	sadd.s32 $0x2800, s23;
	[sflag:s17] =	ssyncadd.s32 $0xFFFFE000  }
0x36: {  	[spmem:s2] =	stream.indirect.scatter.add.f32 [tilespmem:s13], [sflag:$0x3], $0x40, s24, s12, $0xb8;
	[tilespmem:$0x1D000] =	vst v63  }
0x37: {  	_ =	swait.ge [sflag:s10], $0x2000  }
0x38: {  	[sflag:s10] =	ssyncset.done $0x0  }
0x39: {  	s24 =	sadd.s32 $0x100, s23;
	[sflag:s10] =	ssyncadd.s32 $0xFFFFE000  }
0x3a: {  	[tilespmem:s13], [sflag:$0x1] =	stream.indirect.gather [hbm4b:s4+s12], $0x40, s24, s12, $0xb8;
	[tilespmem:$0x1D000] =	vst v63  }
0x3b: {  	_ =	swait.ge [sflag:s18], $0x2000  }
0x3c: {  	[sflag:s18] =	ssyncset.done $0x0  }
.Ltmp0:
0x3d: {  	s24 =	sadd.s32 $0x2880, s23;
	[sflag:s18] =	ssyncadd.s32 $0xFFFFE000;
	(pc) =	sbr.rel @p0 .LBB2_2-.Ltmp0, $4  }
0x3e: {  	[spmem:s2] =	stream.indirect.scatter.add.f32 [tilespmem:s14], [sflag:$0x3], $0x40, s24, s12, $0xb8;
	[tilespmem:$0x1D000] =	vst v63  }
0x3f: {  	_ =	swait.ge [sflag:s10], $0x2000  }
0x40: {  	[sflag:s10] =	ssyncset.done $0x0  }
0x41: {  	s23 =	sadd.s32 $0x180, s23;
	[sflag:s10] =	ssyncadd.s32 $0xFFFFE000  }
0x42: {  	[tilespmem:s14], [sflag:$0x2] =	stream.indirect.gather [hbm4b:s4+s12], $0x40, s23, s12, $0xb8;
	[tilespmem:$0x1D000] =	vst v63  }
0x43: {  	_ =	swait.ge [sflag:s17], $0x2000  }
0x44: {  	[sflag:s17] =	ssyncset.done $0x0  }
0x45: {  	[sflag:s17] =	ssyncadd.s32 $0xFFFFE000  }
0x46: {  	[spmem:s2] =	stream.indirect.scatter.add.f32 [tilespmem:s13], [sflag:$0x3], $0x40, s19, s12, $0xb8;
	[tilespmem:$0x1D000] =	vst v63  }
0x47: {  	_ =	swait.ge [sflag:s10], $0x2000  }
0x48: {  	[sflag:s10] =	ssyncset.done $0x0  }
0x49: {  	[sflag:s10] =	ssyncadd.s32 $0xFFFFE000  }
0x4a: {  	_ =	swait.ge [sflag:s18], $0x2000  }
0x4b: {  	[sflag:s18] =	ssyncset.done $0x0  }
0x4c: {  	[sflag:s18] =	ssyncadd.s32 $0xFFFFE000  }
0x4d: {  	[spmem:s2] =	stream.indirect.scatter.add.f32 [tilespmem:s14], [sflag:$0x3], $0x40, s20, s12, $0xb8;
	[tilespmem:$0x1D000] =	vst v63  }
0x4e: {  	_ =	swait.ge [sflag:s10], $0x2000  }
0x4f: {  	s21 =	sadd.s32 $0x1, s21;
	[sflag:s10] =	ssyncset.done $0x0  }
0x50: {  	p0 =	sne.s32 s21, s9;
	[sflag:s10] =	ssyncadd.s32 $0xFFFFE000  }
.Ltmp1:
0x51: {  	[bflag:$0x0] =	sbarrier.arrive $0xFFFF;
	(pc) =	sbr.rel @p0 .LBB2_1-.Ltmp1, $4  }
0x52: {  	[hbm:s8], [sflag:s15] =	dma.local [spmem:s16], $0x2800  }
0x53: {  	_ =	swait.ge [sflag:s10], $0x2800  }
0x54: {  	[sflag:s10] =	ssyncset.done $0x0  }
0x55: {  	[sflag:s10] =	ssyncadd.s32 $0xFFFFD800  }
0x56: {  	_ =	sfence.sel $0x180000  }
0x57: {  	[bflag:$0x0] =	sbarrier.arrive $0xFFFF  }
0x58: {  	p0 =	sne.s32 s0, $0x0;
	_ =	strace $0x9000004A  }
0x59: {  	s0 =	sadd.s32 @!p0 $0x100000, s1;
	[bflag:$0x2] =	sbarrier.arrive $0xFFFF  }
0x5a: {  	[sflag:s0] =	ssyncadd.tile.s32 @!p0 $0x1;
	_ =	shalt  }
.Lfunc_end2:
_tile_overlayer_lowered:
.L_overlay_start_2:
0x5b: {  	(tag) =	ssettag $0x2  }
0x5c: {  	s0 =	rddreg [dreg:$0x0];
	s2 =	stileid.u32  }
0x5d: {  	s1 =	rddreg [dreg:$0x1];
	p0 =	sne.s32 s2, $0x0  }
0x5e: {  	s3 =	rddreg [dreg:$0x2];
	[bflag:$0x3] =	sbarrier.arrive $0xFFFF;
	s2 =	simm.s32 @!p0 $0x1C03  }
0x5f: {  	[timem:s3], [sflag:s2] =	dma.local @!p0 [hbm:s0], s1  }
0x60: {  	s0 =	simm.s32 @!p0 $0x3  }
0x61: {  	_ =	swait.ge @!p0 [sflag:s0], s1  }
0x62: {  	s1 =	ssub.s32 @!p0 $0x0, s1;
	[sflag:s0] =	ssyncset.done @!p0 $0x0  }
0x63: {  	[sflag:s0] =	ssyncadd.s32 @!p0 s1  }
0x64: {  	[bflag:$0x3] =	sbarrier.arrive $0xFFFF  }
0x65: {  	_ =	shalt  }

</sc_bundles>
